<compile_context>
chip_gen: v7x
topology: tpu7x:2x2x1
jax: 0.10.2.dev20260603
libtpu: 0.0.44.dev20260713+nightly
codegen_flags: <defaults>
</compile_context>

<pallas_src>
import functools

import jax
import jax.numpy as jnp
from jax import lax
from jax.experimental import pallas as pl
from jax.experimental.pallas import tpu as pltpu
from jax.experimental.pallas import tpu_sc as plsc

EDIM = 128
ODIM = 32
PAD = 128
ECOL = 32
NQ = 10000
T_TOTAL = 320000
SLOPE = 0.2

BT = 2000
BQ = 2048

NC = 2
NS = 16
NW = NC * NS
PER_W = T_TOTAL // NW
SCW = 48
CH = 400
CHP = CH // 2
NCH = PER_W // CH
SUB = 4
SUBW = CH // SUB
NQPAD = 10240
ROWS_PER_TILE = NQPAD // NS


def _payload_body(key_ref, query_ref, a_ref, a2_ref, transp_ref, out_ref):
    key = key_ref[...]
    query = query_ref[...]
    av = jnp.dot(a2_ref[...], a_ref[...], preferred_element_type=jnp.float32)
    vk = av[:, :EDIM]
    vq = av[:, EDIM:]
    dn = (((1,), (1,)), ((), ()))
    assoc = lax.dot_general(key, transp_ref[...], dn,
                            preferred_element_type=jnp.float32)
    s = (lax.dot_general(key, vk, dn, preferred_element_type=jnp.float32) +
         lax.dot_general(query, vq, dn, preferred_element_type=jnp.float32))
    e = jnp.exp(-jnp.maximum(s, SLOPE * s))
    col = lax.broadcasted_iota(jnp.int32, (BT, PAD), 1)
    pay = jnp.where(col == ECOL, e, assoc * e)
    out_ref[...] = pltpu.bitcast(pay.astype(jnp.bfloat16), jnp.int32)


def _scatter_body(payload_hbm, qidx_hbm, zeros_hbm, out_hbm,
                  buf, cbuf, idxbuf, acc, sem_p, sem_i, sem_s):
    c = lax.axis_index("c")
    s = lax.axis_index("s")
    wid = c * NS + s
    base = wid * (PER_W // 2)

    pltpu.sync_copy(zeros_hbm.at[pl.ds(s * ROWS_PER_TILE, ROWS_PER_TILE)],
                    acc.at[pl.ds(s * ROWS_PER_TILE, ROWS_PER_TILE)])

    def start(i):
        bslot = lax.rem(i, 2)
        islot = lax.rem(i, 4)
        pltpu.async_copy(payload_hbm.at[pl.ds(base + i * CHP, CHP)],
                         buf.at[bslot], sem_p)
        pltpu.async_copy(qidx_hbm.at[wid * NCH + i], idxbuf.at[islot], sem_i)

    def waitload(i):
        bslot = lax.rem(i, 2)
        islot = lax.rem(i, 4)
        pltpu.make_async_copy(payload_hbm.at[pl.ds(base, CHP)],
                              buf.at[bslot], sem_p).wait()
        pltpu.make_async_copy(qidx_hbm.at[wid * NCH], idxbuf.at[islot], sem_i).wait()

    def unpack(i):
        bslot = lax.rem(i, 2)

        def unpack_rows(r, carry):
            for u in range(2):
                rr = r * 2 + u
                for g in range(SCW // 16):
                    w = buf[bslot, rr, pl.ds(g * 16, 16)]
                    lo = lax.bitcast_convert_type(w << 16, jnp.float32)
                    hi = lax.bitcast_convert_type((w >> 16) << 16, jnp.float32)
                    cbuf[bslot, 2 * rr, pl.ds(g * 16, 16)] = lo
                    cbuf[bslot, 2 * rr + 1, pl.ds(g * 16, 16)] = hi
            return carry

        lax.fori_loop(0, CHP // 2, unpack_rows, 0)

    def fire(i):
        cslot = lax.rem(i, 2)
        islot = lax.rem(i, 4)
        for jj in range(SUB):
            pltpu.async_copy(cbuf.at[cslot, pl.ds(jj * SUBW, SUBW)],
                             acc.at[idxbuf.at[islot, jj]], sem_s, add=True)

    def drain(i):
        cslot = lax.rem(i, 2)
        islot = lax.rem(i, 4)
        for jj in range(SUB):
            pltpu.make_async_copy(cbuf.at[cslot, pl.ds(jj * SUBW, SUBW)],
                                  acc.at[idxbuf.at[islot, jj]], sem_s).wait()

    start(0)
    start(1)
    plsc.subcore_barrier()

    def body(i, carry):
        waitload(i)

        @pl.when(i >= 2)
        def _():
            drain(i - 2)

        unpack(i)

        @pl.when(i + 2 < NCH)
        def _():
            start(i + 2)

        fire(i)
        return carry

    lax.fori_loop(0, NCH, body, 0)
    drain(NCH - 2)
    drain(NCH - 1)

    plsc.subcore_barrier()
    pltpu.sync_copy(acc.at[pl.ds(s * ROWS_PER_TILE, ROWS_PER_TILE)],
                    out_hbm.at[c, pl.ds(s * ROWS_PER_TILE, ROWS_PER_TILE)])


def _finalize_body(acc_ref, out_ref):
    p = acc_ref[0] + acc_ref[1]
    h = p[:, :ODIM]
    r = p[:, ECOL:ECOL + 1]
    r = jnp.where(r == 0.0, 1e-12, r)
    x = h / r
    out_ref[...] = jnp.where(x > 0.0, x, jnp.exp(x) - 1.0)


def kernel(key_list, key_embed, query_list, query_embed, a, a_2, trans):
    del key_list
    t = key_embed.shape[0]

    trans_pad = jnp.concatenate(
        [trans, jnp.zeros((PAD - ODIM, EDIM), trans.dtype)], axis=0)

    payload = pl.pallas_call(
        _payload_body,
        grid=(t // BT,),
        in_specs=[
            pl.BlockSpec((BT, EDIM), lambda i: (i, 0)),
            pl.BlockSpec((BT, EDIM), lambda i: (i, 0)),
            pl.BlockSpec((ODIM, 2 * EDIM), lambda i: (0, 0)),
            pl.BlockSpec((1, ODIM), lambda i: (0, 0)),
            pl.BlockSpec((PAD, EDIM), lambda i: (0, 0)),
        ],
        out_specs=pl.BlockSpec((BT // 2, PAD), lambda i: (i, 0)),
        out_shape=jax.ShapeDtypeStruct((t // 2, PAD), jnp.int32),
    )(key_embed, query_embed, a, a_2, trans_pad)

    qidx3 = query_list.astype(jnp.int32).reshape(t // CH, SUB, SUBW)
    zeros = jnp.zeros((NQPAD, SCW), jnp.float32)

    mesh = plsc.VectorSubcoreMesh(core_axis_name="c", subcore_axis_name="s")
    scatter = functools.partial(
        pl.kernel,
        out_type=jax.ShapeDtypeStruct((NC, NQPAD, SCW), jnp.float32),
        mesh=mesh,
        compiler_params=pltpu.CompilerParams(use_tc_tiling_on_sc=False),
        scratch_types=[
            pltpu.VMEM((2, CHP, PAD), jnp.int32),
            pltpu.VMEM((2, CH, SCW), jnp.float32),
            pltpu.VMEM((4, SUB, SUBW), jnp.int32),
            pltpu.VMEM_SHARED((NQPAD, SCW), jnp.float32),
            pltpu.SemaphoreType.DMA,
            pltpu.SemaphoreType.DMA,
            pltpu.SemaphoreType.DMA,
        ],
    )(_scatter_body)
    acc2 = scatter(payload, qidx3, zeros)

    out = pl.pallas_call(
        _finalize_body,
        grid=(NQPAD // BQ,),
        in_specs=[pl.BlockSpec((NC, BQ, SCW), lambda i: (0, i, 0))],
        out_specs=pl.BlockSpec((BQ, ODIM), lambda i: (i, 0)),
        out_shape=jax.ShapeDtypeStruct((NQPAD, ODIM), jnp.float32),
    )(acc2)
    return out[:NQ]

# --- scband reference (transcript-rebuilt; emitter-appended) ---
"""Pipeline reference for scband-cross-att-6640019440172 (READ-ONLY COPY).

The authoritative reference and input builder live on the scoring server;
editing this copy changes nothing except your own understanding.
"""

import jax, jax.numpy as jnp
import numpy as np

EMBED_DIM = 128
EMBED_OUT_DIM = 32
NUM_KEY = 10000
NUM_QUERY = 10000
T = 320000
ALPHA = 0.2


def setup_inputs(seed: int = 0) -> dict:
    key = jax.random.key(seed)
    k1, k2, k3, k4, k5, k6, k7 = jax.random.split(key, 7)
    key_list = jax.random.randint(k1, (T,), 0, NUM_KEY, dtype=jnp.int32)
    key_embed = jax.random.normal(k2, (T, EMBED_DIM), dtype=jnp.float32)
    query_list = jax.random.randint(k3, (T,), 0, NUM_QUERY, dtype=jnp.int32)
    query_embed = jax.random.normal(k4, (T, EMBED_DIM), dtype=jnp.float32)
    # learned parameters, xavier_normal with gain=1.414
    a = jax.random.normal(k5, (EMBED_OUT_DIM, 2 * EMBED_DIM), dtype=jnp.float32) * (1.414 * np.sqrt(2.0 / (EMBED_OUT_DIM + 2 * EMBED_DIM)))
    a_2 = jax.random.normal(k6, (1, EMBED_OUT_DIM), dtype=jnp.float32) * (1.414 * np.sqrt(2.0 / (1 + EMBED_OUT_DIM)))
    trans = jax.random.normal(k7, (EMBED_OUT_DIM, EMBED_DIM), dtype=jnp.float32) * (1.414 * np.sqrt(2.0 / (EMBED_OUT_DIM + EMBED_DIM)))
    return {"key_list": key_list, "key_embed": key_embed, "query_list": query_list, "query_embed": query_embed, "a": a, "a_2": a_2, "trans": trans}


def reference(key_list, key_embed, query_list, query_embed, a, a_2, trans):
    # edge_associated_set = trans @ key_embed^T  -> (out, T)
    edge_associated_set = trans @ key_embed.T
    # edge_h = cat(key_embed, query_embed, dim=1)^T -> (2*d, T)
    edge_h = jnp.concatenate([key_embed, query_embed], axis=1).T
    edge_m = a @ edge_h  # (out, T)
    powers = -jax.nn.leaky_relu((a_2 @ edge_m).squeeze(), negative_slope=ALPHA)  # (T,)
    edge_e = jnp.exp(powers)  # (T,)
    # sparse segment-sum of edge_e over query ids -> e_rowsum (num_query, 1)
    e_rowsum = jax.ops.segment_sum(edge_e, query_list, num_segments=NUM_QUERY)[:, None]
    e_rowsum = jnp.where(e_rowsum == 0.0, 1e-12, e_rowsum)
    # dropout p=0.0 -> identity
    edge_w = (edge_e[None, :] * edge_associated_set).T  # (T, out)
    h_prime = jax.ops.segment_sum(edge_w, query_list, num_segments=NUM_QUERY)  # (num_query, out)
    h_prime = h_prime / e_rowsum
    return jax.nn.elu(h_prime)

if __name__ == "__main__":
    import jax
    _d = setup_inputs()
    print(jax.jit(kernel)(*tuple(_d.values())))

</pallas_src>

<mosaic_0001>
#map = affine_map<(d0, d1) -> (0, 0)>
#map1 = affine_map<(d0, d1) -> (0, 0, 0)>
module attributes {stable_mosaic.version = 14 : i64} {
  func.func @_scatter_body(%arg0: i32, %arg1: i32, %arg2: memref<160000x128xi32, #tpu.memory_space<hbm>>, %arg3: memref<800x4x100xi32, #tpu.memory_space<hbm>>, %arg4: memref<10240x48xf32, #tpu.memory_space<hbm>>, %arg5: memref<2x10240x48xf32, #tpu.memory_space<hbm>>, %arg6: memref<2x200x128xi32, #tpu.memory_space<vmem>>, %arg7: memref<2x400x48xf32, #tpu.memory_space<vmem>>, %arg8: memref<4x4x100xi32, #tpu.memory_space<vmem>>, %arg9: memref<10240x48xf32, #tpu.memory_space<vmem_shared>>, %arg10: memref<!tpu.dma_semaphore, #tpu.memory_space<semaphore_mem>>, %arg11: memref<!tpu.dma_semaphore, #tpu.memory_space<semaphore_mem>>, %arg12: memref<!tpu.dma_semaphore, #tpu.memory_space<semaphore_mem>>) attributes {dimension_semantics = [#tpu.dimension_semantics<core_parallel>, #tpu.dimension_semantics<subcore_parallel>], iteration_bounds = array<i64: 2, 16>, scalar_prefetch = 0 : i64, scratch_operands = 7 : i64, tpu.core_type = #tpu.core_type<sc_vector_subcore>, window_params = [{transform_indices = #map}, {transform_indices = #map1}, {transform_indices = #map}, {transform_indices = #map1}]} {
    %mul3A = arith.constant 16 : i32
    %mul3A_0 = arith.muli %arg0, %mul3A : i32
    %add3A = arith.addi %mul3A_0, %arg1 : i32
    %mul3A_1 = arith.constant 5000 : i32
    %mul3A_2 = arith.muli %add3A, %mul3A_1 : i32
    %mul3A_3 = arith.constant 640 : i32
    %mul3A_4 = arith.muli %arg1, %mul3A_3 : i32
    %mul3A_5 = arith.constant 640 : i32
    %mul3A_6 = arith.muli %arg1, %mul3A_5 : i32
    "tpu.region"() ({
      %run_scoped3A = tpu.sem_alloc : memref<!tpu.dma_semaphore, #tpu.memory_space<semaphore_mem>>
      %dma_start3A_194 = arith.constant 0 : i32
      %dma_start3A_195 = tpu.memref_slice %arg9[%mul3A_6, %dma_start3A_194] : memref<10240x48xf32, #tpu.memory_space<vmem_shared>> -> memref<640x48xf32, #tpu.memory_space<vmem_shared>>
      %dma_start3A_196 = arith.constant 0 : i32
      %dma_start3A_197 = tpu.memref_slice %arg4[%mul3A_4, %dma_start3A_196] : memref<10240x48xf32, #tpu.memory_space<hbm>> -> memref<640x48xf32, #tpu.memory_space<hbm>>
      tpu.enqueue_dma source(%dma_start3A_197 : memref<640x48xf32, #tpu.memory_space<hbm>>) target(%dma_start3A_195 : memref<640x48xf32, #tpu.memory_space<vmem_shared>>) target_semaphore(%run_scoped3A : memref<!tpu.dma_semaphore, #tpu.memory_space<semaphore_mem>>)
      %dma_wait3A_198 = arith.constant 0 : i32
      %dma_wait3A_199 = tpu.memref_slice %arg9[%mul3A_6, %dma_wait3A_198] : memref<10240x48xf32, #tpu.memory_space<vmem_shared>> -> memref<640x48xf32, #tpu.memory_space<vmem_shared>>
      %dma_wait3A_200 = arith.constant 0 : i32
      %dma_wait3A_201 = tpu.memref_slice %arg4[%mul3A_4, %dma_wait3A_200] : memref<10240x48xf32, #tpu.memory_space<hbm>> -> memref<640x48xf32, #tpu.memory_space<hbm>>
      tpu.wait_dma2 semaphore(%run_scoped3A : memref<!tpu.dma_semaphore, #tpu.memory_space<semaphore_mem>>) src(%dma_wait3A_201 : memref<640x48xf32, #tpu.memory_space<hbm>>) dst(%dma_wait3A_199 : memref<640x48xf32, #tpu.memory_space<vmem_shared>>)
      tpu.yield
    }) : () -> ()
    %rem3A = arith.constant 0 : i32
    %rem3A_7 = arith.constant 2 : i32
    %rem3A_8 = arith.remsi %rem3A, %rem3A_7 : i32
    %rem3A_9 = arith.constant 0 : i32
    %rem3A_10 = arith.constant 4 : i32
    %rem3A_11 = arith.remsi %rem3A_9, %rem3A_10 : i32
    %add3A_12 = arith.constant 0 : i32
    %add3A_13 = arith.addi %mul3A_2, %add3A_12 : i32
    %dma_start3A = arith.constant 0 : i32
    %dma_start3A_14 = arith.constant 0 : i32
    %dma_start3A_15 = tpu.memref_slice %arg6[%rem3A_8, %dma_start3A, %dma_start3A_14] : memref<2x200x128xi32, #tpu.memory_space<vmem>> -> memref<1x200x128xi32, #tpu.memory_space<vmem>>
    %dma_start3A_16 = tpu.memref_squeeze %dma_start3A_15 : memref<1x200x128xi32, #tpu.memory_space<vmem>> -> memref<200x128xi32, #tpu.memory_space<vmem>>
    %dma_start3A_17 = arith.constant 0 : i32
    %dma_start3A_18 = tpu.memref_slice %arg2[%add3A_13, %dma_start3A_17] : memref<160000x128xi32, #tpu.memory_space<hbm>> -> memref<200x128xi32, #tpu.memory_space<hbm>>
    %dma_start3A_19 = arith.constant 0 : i32
    %dma_start3A_20 = arith.constant 0 : i32
    %dma_start3A_21 = tpu.memref_slice %arg6[%rem3A_8, %dma_start3A_19, %dma_start3A_20] : memref<2x200x128xi32, #tpu.memory_space<vmem>> -> memref<1x200x128xi32, #tpu.memory_space<vmem>>
    %dma_start3A_22 = tpu.memref_squeeze %dma_start3A_21 : memref<1x200x128xi32, #tpu.memory_space<vmem>> -> memref<200x128xi32, #tpu.memory_space<vmem>>
    %dma_start3A_23 = arith.constant 0 : i32
    %dma_start3A_24 = tpu.memref_slice %arg2[%add3A_13, %dma_start3A_23] : memref<160000x128xi32, #tpu.memory_space<hbm>> -> memref<200x128xi32, #tpu.memory_space<hbm>>
    tpu.enqueue_dma source(%dma_start3A_24 : memref<200x128xi32, #tpu.memory_space<hbm>>) target(%dma_start3A_22 : memref<200x128xi32, #tpu.memory_space<vmem>>) target_semaphore(%arg10 : memref<!tpu.dma_semaphore, #tpu.memory_space<semaphore_mem>>)
    %mul3A_25 = arith.constant 25 : i32
    %mul3A_26 = arith.muli %add3A, %mul3A_25 : i32
    %add3A_27 = arith.constant 0 : i32
    %add3A_28 = arith.addi %mul3A_26, %add3A_27 : i32
    %dma_start3A_29 = arith.constant 0 : i32
    %dma_start3A_30 = arith.constant 0 : i32
    %dma_start3A_31 = tpu.memref_slice %arg8[%rem3A_11, %dma_start3A_29, %dma_start3A_30] : memref<4x4x100xi32, #tpu.memory_space<vmem>> -> memref<1x4x100xi32, #tpu.memory_space<vmem>>
    %dma_start3A_32 = tpu.memref_squeeze %dma_start3A_31 : memref<1x4x100xi32, #tpu.memory_space<vmem>> -> memref<4x100xi32, #tpu.memory_space<vmem>>
    %dma_start3A_33 = arith.constant 0 : i32
    %dma_start3A_34 = arith.constant 0 : i32
    %dma_start3A_35 = tpu.memref_slice %arg3[%add3A_28, %dma_start3A_33, %dma_start3A_34] : memref<800x4x100xi32, #tpu.memory_space<hbm>> -> memref<1x4x100xi32, #tpu.memory_space<hbm>>
    %dma_start3A_36 = tpu.memref_squeeze %dma_start3A_35 : memref<1x4x100xi32, #tpu.memory_space<hbm>> -> memref<4x100xi32, #tpu.memory_space<hbm>>
    %dma_start3A_37 = arith.constant 0 : i32
    %dma_start3A_38 = arith.constant 0 : i32
    %dma_start3A_39 = tpu.memref_slice %arg8[%rem3A_11, %dma_start3A_37, %dma_start3A_38] : memref<4x4x100xi32, #tpu.memory_space<vmem>> -> memref<1x4x100xi32, #tpu.memory_space<vmem>>
    %dma_start3A_40 = tpu.memref_squeeze %dma_start3A_39 : memref<1x4x100xi32, #tpu.memory_space<vmem>> -> memref<4x100xi32, #tpu.memory_space<vmem>>
    %dma_start3A_41 = arith.constant 0 : i32
    %dma_start3A_42 = arith.constant 0 : i32
    %dma_start3A_43 = tpu.memref_slice %arg3[%add3A_28, %dma_start3A_41, %dma_start3A_42] : memref<800x4x100xi32, #tpu.memory_space<hbm>> -> memref<1x4x100xi32, #tpu.memory_space<hbm>>
    %dma_start3A_44 = tpu.memref_squeeze %dma_start3A_43 : memref<1x4x100xi32, #tpu.memory_space<hbm>> -> memref<4x100xi32, #tpu.memory_space<hbm>>
    tpu.enqueue_dma source(%dma_start3A_44 : memref<4x100xi32, #tpu.memory_space<hbm>>) target(%dma_start3A_40 : memref<4x100xi32, #tpu.memory_space<vmem>>) target_semaphore(%arg11 : memref<!tpu.dma_semaphore, #tpu.memory_space<semaphore_mem>>)
    %rem3A_45 = arith.constant 1 : i32
    %rem3A_46 = arith.constant 2 : i32
    %rem3A_47 = arith.remsi %rem3A_45, %rem3A_46 : i32
    %rem3A_48 = arith.constant 1 : i32
    %rem3A_49 = arith.constant 4 : i32
    %rem3A_50 = arith.remsi %rem3A_48, %rem3A_49 : i32
    %add3A_51 = arith.constant 200 : i32
    %add3A_52 = arith.addi %mul3A_2, %add3A_51 : i32
    %dma_start3A_53 = arith.constant 0 : i32
    %dma_start3A_54 = arith.constant 0 : i32
    %dma_start3A_55 = tpu.memref_slice %arg6[%rem3A_47, %dma_start3A_53, %dma_start3A_54] : memref<2x200x128xi32, #tpu.memory_space<vmem>> -> memref<1x200x128xi32, #tpu.memory_space<vmem>>
    %dma_start3A_56 = tpu.memref_squeeze %dma_start3A_55 : memref<1x200x128xi32, #tpu.memory_space<vmem>> -> memref<200x128xi32, #tpu.memory_space<vmem>>
    %dma_start3A_57 = arith.constant 0 : i32
    %dma_start3A_58 = tpu.memref_slice %arg2[%add3A_52, %dma_start3A_57] : memref<160000x128xi32, #tpu.memory_space<hbm>> -> memref<200x128xi32, #tpu.memory_space<hbm>>
    %dma_start3A_59 = arith.constant 0 : i32
    %dma_start3A_60 = arith.constant 0 : i32
    %dma_start3A_61 = tpu.memref_slice %arg6[%rem3A_47, %dma_start3A_59, %dma_start3A_60] : memref<2x200x128xi32, #tpu.memory_space<vmem>> -> memref<1x200x128xi32, #tpu.memory_space<vmem>>
    %dma_start3A_62 = tpu.memref_squeeze %dma_start3A_61 : memref<1x200x128xi32, #tpu.memory_space<vmem>> -> memref<200x128xi32, #tpu.memory_space<vmem>>
    %dma_start3A_63 = arith.constant 0 : i32
    %dma_start3A_64 = tpu.memref_slice %arg2[%add3A_52, %dma_start3A_63] : memref<160000x128xi32, #tpu.memory_space<hbm>> -> memref<200x128xi32, #tpu.memory_space<hbm>>
    tpu.enqueue_dma source(%dma_start3A_64 : memref<200x128xi32, #tpu.memory_space<hbm>>) target(%dma_start3A_62 : memref<200x128xi32, #tpu.memory_space<vmem>>) target_semaphore(%arg10 : memref<!tpu.dma_semaphore, #tpu.memory_space<semaphore_mem>>)
    %mul3A_65 = arith.constant 25 : i32
    %mul3A_66 = arith.muli %add3A, %mul3A_65 : i32
    %add3A_67 = arith.constant 1 : i32
    %add3A_68 = arith.addi %mul3A_66, %add3A_67 : i32
    %dma_start3A_69 = arith.constant 0 : i32
    %dma_start3A_70 = arith.constant 0 : i32
    %dma_start3A_71 = tpu.memref_slice %arg8[%rem3A_50, %dma_start3A_69, %dma_start3A_70] : memref<4x4x100xi32, #tpu.memory_space<vmem>> -> memref<1x4x100xi32, #tpu.memory_space<vmem>>
    %dma_start3A_72 = tpu.memref_squeeze %dma_start3A_71 : memref<1x4x100xi32, #tpu.memory_space<vmem>> -> memref<4x100xi32, #tpu.memory_space<vmem>>
    %dma_start3A_73 = arith.constant 0 : i32
    %dma_start3A_74 = arith.constant 0 : i32
    %dma_start3A_75 = tpu.memref_slice %arg3[%add3A_68, %dma_start3A_73, %dma_start3A_74] : memref<800x4x100xi32, #tpu.memory_space<hbm>> -> memref<1x4x100xi32, #tpu.memory_space<hbm>>
    %dma_start3A_76 = tpu.memref_squeeze %dma_start3A_75 : memref<1x4x100xi32, #tpu.memory_space<hbm>> -> memref<4x100xi32, #tpu.memory_space<hbm>>
    %dma_start3A_77 = arith.constant 0 : i32
    %dma_start3A_78 = arith.constant 0 : i32
    %dma_start3A_79 = tpu.memref_slice %arg8[%rem3A_50, %dma_start3A_77, %dma_start3A_78] : memref<4x4x100xi32, #tpu.memory_space<vmem>> -> memref<1x4x100xi32, #tpu.memory_space<vmem>>
    %dma_start3A_80 = tpu.memref_squeeze %dma_start3A_79 : memref<1x4x100xi32, #tpu.memory_space<vmem>> -> memref<4x100xi32, #tpu.memory_space<vmem>>
    %dma_start3A_81 = arith.constant 0 : i32
    %dma_start3A_82 = arith.constant 0 : i32
    %dma_start3A_83 = tpu.memref_slice %arg3[%add3A_68, %dma_start3A_81, %dma_start3A_82] : memref<800x4x100xi32, #tpu.memory_space<hbm>> -> memref<1x4x100xi32, #tpu.memory_space<hbm>>
    %dma_start3A_84 = tpu.memref_squeeze %dma_start3A_83 : memref<1x4x100xi32, #tpu.memory_space<hbm>> -> memref<4x100xi32, #tpu.memory_space<hbm>>
    tpu.enqueue_dma source(%dma_start3A_84 : memref<4x100xi32, #tpu.memory_space<hbm>>) target(%dma_start3A_80 : memref<4x100xi32, #tpu.memory_space<vmem>>) target_semaphore(%arg11 : memref<!tpu.dma_semaphore, #tpu.memory_space<semaphore_mem>>)
    %barrier3A = arith.constant 0 : index
    tpu.barrier barrier_id(%barrier3A)
    %scan3A = arith.constant 0 : i32
    %scan3A_85 = arith.constant 0 : i32
    %scan3A_86 = arith.constant 25 : i32
    %scan3A_87 = arith.addi %scan3A_85, %scan3A_86 : i32
    %scan3A_88 = arith.constant 1 : i32
    scf.for %scan3A_194 = %scan3A_85 to %scan3A_87 step %scan3A_88  : i32 {
      %rem3A_195 = arith.constant 2 : i32
      %rem3A_196 = arith.remsi %scan3A_194, %rem3A_195 : i32
      %rem3A_197 = arith.constant 4 : i32
      %rem3A_198 = arith.remsi %scan3A_194, %rem3A_197 : i32
      %dma_wait3A_199 = arith.constant 0 : i32
      %dma_wait3A_200 = arith.constant 0 : i32
      %dma_wait3A_201 = tpu.memref_slice %arg6[%rem3A_196, %dma_wait3A_199, %dma_wait3A_200] : memref<2x200x128xi32, #tpu.memory_space<vmem>> -> memref<1x200x128xi32, #tpu.memory_space<vmem>>
      %dma_wait3A_202 = tpu.memref_squeeze %dma_wait3A_201 : memref<1x200x128xi32, #tpu.memory_space<vmem>> -> memref<200x128xi32, #tpu.memory_space<vmem>>
      %dma_wait3A_203 = arith.constant 0 : i32
      %dma_wait3A_204 = tpu.memref_slice %arg2[%mul3A_2, %dma_wait3A_203] : memref<160000x128xi32, #tpu.memory_space<hbm>> -> memref<200x128xi32, #tpu.memory_space<hbm>>
      %dma_wait3A_205 = arith.constant 0 : i32
      %dma_wait3A_206 = arith.constant 0 : i32
      %dma_wait3A_207 = tpu.memref_slice %arg6[%rem3A_196, %dma_wait3A_205, %dma_wait3A_206] : memref<2x200x128xi32, #tpu.memory_space<vmem>> -> memref<1x200x128xi32, #tpu.memory_space<vmem>>
      %dma_wait3A_208 = tpu.memref_squeeze %dma_wait3A_207 : memref<1x200x128xi32, #tpu.memory_space<vmem>> -> memref<200x128xi32, #tpu.memory_space<vmem>>
      %dma_wait3A_209 = arith.constant 0 : i32
      %dma_wait3A_210 = tpu.memref_slice %arg2[%mul3A_2, %dma_wait3A_209] : memref<160000x128xi32, #tpu.memory_space<hbm>> -> memref<200x128xi32, #tpu.memory_space<hbm>>
      tpu.wait_dma2 semaphore(%arg10 : memref<!tpu.dma_semaphore, #tpu.memory_space<semaphore_mem>>) src(%dma_wait3A_210 : memref<200x128xi32, #tpu.memory_space<hbm>>) dst(%dma_wait3A_208 : memref<200x128xi32, #tpu.memory_space<vmem>>)
      %mul3A_211 = arith.constant 25 : i32
      %mul3A_212 = arith.muli %add3A, %mul3A_211 : i32
      %dma_wait3A_213 = arith.constant 0 : i32
      %dma_wait3A_214 = arith.constant 0 : i32
      %dma_wait3A_215 = tpu.memref_slice %arg8[%rem3A_198, %dma_wait3A_213, %dma_wait3A_214] : memref<4x4x100xi32, #tpu.memory_space<vmem>> -> memref<1x4x100xi32, #tpu.memory_space<vmem>>
      %dma_wait3A_216 = tpu.memref_squeeze %dma_wait3A_215 : memref<1x4x100xi32, #tpu.memory_space<vmem>> -> memref<4x100xi32, #tpu.memory_space<vmem>>
      %dma_wait3A_217 = arith.constant 0 : i32
      %dma_wait3A_218 = arith.constant 0 : i32
      %dma_wait3A_219 = tpu.memref_slice %arg3[%mul3A_212, %dma_wait3A_217, %dma_wait3A_218] : memref<800x4x100xi32, #tpu.memory_space<hbm>> -> memref<1x4x100xi32, #tpu.memory_space<hbm>>
      %dma_wait3A_220 = tpu.memref_squeeze %dma_wait3A_219 : memref<1x4x100xi32, #tpu.memory_space<hbm>> -> memref<4x100xi32, #tpu.memory_space<hbm>>
      %dma_wait3A_221 = arith.constant 0 : i32
      %dma_wait3A_222 = arith.constant 0 : i32
      %dma_wait3A_223 = tpu.memref_slice %arg8[%rem3A_198, %dma_wait3A_221, %dma_wait3A_222] : memref<4x4x100xi32, #tpu.memory_space<vmem>> -> memref<1x4x100xi32, #tpu.memory_space<vmem>>
      %dma_wait3A_224 = tpu.memref_squeeze %dma_wait3A_223 : memref<1x4x100xi32, #tpu.memory_space<vmem>> -> memref<4x100xi32, #tpu.memory_space<vmem>>
      %dma_wait3A_225 = arith.constant 0 : i32
      %dma_wait3A_226 = arith.constant 0 : i32
      %dma_wait3A_227 = tpu.memref_slice %arg3[%mul3A_212, %dma_wait3A_225, %dma_wait3A_226] : memref<800x4x100xi32, #tpu.memory_space<hbm>> -> memref<1x4x100xi32, #tpu.memory_space<hbm>>
      %dma_wait3A_228 = tpu.memref_squeeze %dma_wait3A_227 : memref<1x4x100xi32, #tpu.memory_space<hbm>> -> memref<4x100xi32, #tpu.memory_space<hbm>>
      tpu.wait_dma2 semaphore(%arg11 : memref<!tpu.dma_semaphore, #tpu.memory_space<semaphore_mem>>) src(%dma_wait3A_228 : memref<4x100xi32, #tpu.memory_space<hbm>>) dst(%dma_wait3A_224 : memref<4x100xi32, #tpu.memory_space<vmem>>)
      %ge3A = arith.constant 2 : i32
      %ge3A_229 = arith.cmpi sge, %scan3A_194, %ge3A : i32
      %convert_element_type3A = arith.extui %ge3A_229 : i1 to i32
      %cond3A = arith.constant 0 : i32
      %cond3A_230 = arith.cmpi ne, %convert_element_type3A, %cond3A : i32
      scf.if %cond3A_230 {
        %sub3A = arith.constant 2 : i32
        %sub3A_293 = arith.subi %scan3A_194, %sub3A : i32
        %rem3A_294 = arith.constant 2 : i32
        %rem3A_295 = arith.remsi %sub3A_293, %rem3A_294 : i32
        %rem3A_296 = arith.constant 4 : i32
        %rem3A_297 = arith.remsi %sub3A_293, %rem3A_296 : i32
        %dma_wait3A_298 = arith.constant 0 : i32
        %dma_wait3A_299 = arith.constant 0 : i32
        %dma_wait3A_300 = arith.constant 0 : i32
        %dma_wait3A_301 = tpu.memref_slice %arg7[%rem3A_295, %dma_wait3A_299, %dma_wait3A_300] : memref<2x400x48xf32, #tpu.memory_space<vmem>> -> memref<1x100x48xf32, #tpu.memory_space<vmem>>
        %dma_wait3A_302 = tpu.memref_squeeze %dma_wait3A_301 : memref<1x100x48xf32, #tpu.memory_space<vmem>> -> memref<100x48xf32, #tpu.memory_space<vmem>>
        %dma_wait3A_303 = arith.constant 0 : i32
        %dma_wait3A_304 = tpu.memref_slice %arg8[%rem3A_297, %dma_wait3A_298, %dma_wait3A_303] : memref<4x4x100xi32, #tpu.memory_space<vmem>> -> memref<1x1x100xi32, #tpu.memory_space<vmem>>
        %dma_wait3A_305 = tpu.memref_squeeze %dma_wait3A_304 : memref<1x1x100xi32, #tpu.memory_space<vmem>> -> memref<100xi32, #tpu.memory_space<vmem>>
        %dma_wait3A_306 = arith.constant 0 : i32
        %dma_wait3A_307 = arith.constant 0 : i32
        %dma_wait3A_308 = tpu.memref_slice %arg9[%dma_wait3A_306, %dma_wait3A_307] : memref<10240x48xf32, #tpu.memory_space<vmem_shared>> -> memref<10240x48xf32, #tpu.memory_space<vmem_shared>>
        tpu.wait_indirect_dma semaphore(%arg12 : memref<!tpu.dma_semaphore, #tpu.memory_space<semaphore_mem>>) src(%dma_wait3A_302 : memref<100x48xf32, #tpu.memory_space<vmem>>) dst(%dma_wait3A_308 : memref<10240x48xf32, #tpu.memory_space<vmem_shared>>)
        %dma_wait3A_309 = arith.constant 1 : i32
        %dma_wait3A_310 = arith.constant 100 : i32
        %dma_wait3A_311 = arith.constant 0 : i32
        %dma_wait3A_312 = tpu.memref_slice %arg7[%rem3A_295, %dma_wait3A_310, %dma_wait3A_311] : memref<2x400x48xf32, #tpu.memory_space<vmem>> -> memref<1x100x48xf32, #tpu.memory_space<vmem>>
        %dma_wait3A_313 = tpu.memref_squeeze %dma_wait3A_312 : memref<1x100x48xf32, #tpu.memory_space<vmem>> -> memref<100x48xf32, #tpu.memory_space<vmem>>
        %dma_wait3A_314 = arith.constant 0 : i32
        %dma_wait3A_315 = tpu.memref_slice %arg8[%rem3A_297, %dma_wait3A_309, %dma_wait3A_314] : memref<4x4x100xi32, #tpu.memory_space<vmem>> -> memref<1x1x100xi32, #tpu.memory_space<vmem>>
        %dma_wait3A_316 = tpu.memref_squeeze %dma_wait3A_315 : memref<1x1x100xi32, #tpu.memory_space<vmem>> -> memref<100xi32, #tpu.memory_space<vmem>>
        %dma_wait3A_317 = arith.constant 0 : i32
        %dma_wait3A_318 = arith.constant 0 : i32
        %dma_wait3A_319 = tpu.memref_slice %arg9[%dma_wait3A_317, %dma_wait3A_318] : memref<10240x48xf32, #tpu.memory_space<vmem_shared>> -> memref<10240x48xf32, #tpu.memory_space<vmem_shared>>
        tpu.wait_indirect_dma semaphore(%arg12 : memref<!tpu.dma_semaphore, #tpu.memory_space<semaphore_mem>>) src(%dma_wait3A_313 : memref<100x48xf32, #tpu.memory_space<vmem>>) dst(%dma_wait3A_319 : memref<10240x48xf32, #tpu.memory_space<vmem_shared>>)
        %dma_wait3A_320 = arith.constant 2 : i32
        %dma_wait3A_321 = arith.constant 200 : i32
        %dma_wait3A_322 = arith.constant 0 : i32
        %dma_wait3A_323 = tpu.memref_slice %arg7[%rem3A_295, %dma_wait3A_321, %dma_wait3A_322] : memref<2x400x48xf32, #tpu.memory_space<vmem>> -> memref<1x100x48xf32, #tpu.memory_space<vmem>>
        %dma_wait3A_324 = tpu.memref_squeeze %dma_wait3A_323 : memref<1x100x48xf32, #tpu.memory_space<vmem>> -> memref<100x48xf32, #tpu.memory_space<vmem>>
        %dma_wait3A_325 = arith.constant 0 : i32
        %dma_wait3A_326 = tpu.memref_slice %arg8[%rem3A_297, %dma_wait3A_320, %dma_wait3A_325] : memref<4x4x100xi32, #tpu.memory_space<vmem>> -> memref<1x1x100xi32, #tpu.memory_space<vmem>>
        %dma_wait3A_327 = tpu.memref_squeeze %dma_wait3A_326 : memref<1x1x100xi32, #tpu.memory_space<vmem>> -> memref<100xi32, #tpu.memory_space<vmem>>
        %dma_wait3A_328 = arith.constant 0 : i32
        %dma_wait3A_329 = arith.constant 0 : i32
        %dma_wait3A_330 = tpu.memref_slice %arg9[%dma_wait3A_328, %dma_wait3A_329] : memref<10240x48xf32, #tpu.memory_space<vmem_shared>> -> memref<10240x48xf32, #tpu.memory_space<vmem_shared>>
        tpu.wait_indirect_dma semaphore(%arg12 : memref<!tpu.dma_semaphore, #tpu.memory_space<semaphore_mem>>) src(%dma_wait3A_324 : memref<100x48xf32, #tpu.memory_space<vmem>>) dst(%dma_wait3A_330 : memref<10240x48xf32, #tpu.memory_space<vmem_shared>>)
        %dma_wait3A_331 = arith.constant 3 : i32
        %dma_wait3A_332 = arith.constant 300 : i32
        %dma_wait3A_333 = arith.constant 0 : i32
        %dma_wait3A_334 = tpu.memref_slice %arg7[%rem3A_295, %dma_wait3A_332, %dma_wait3A_333] : memref<2x400x48xf32, #tpu.memory_space<vmem>> -> memref<1x100x48xf32, #tpu.memory_space<vmem>>
        %dma_wait3A_335 = tpu.memref_squeeze %dma_wait3A_334 : memref<1x100x48xf32, #tpu.memory_space<vmem>> -> memref<100x48xf32, #tpu.memory_space<vmem>>
        %dma_wait3A_336 = arith.constant 0 : i32
        %dma_wait3A_337 = tpu.memref_slice %arg8[%rem3A_297, %dma_wait3A_331, %dma_wait3A_336] : memref<4x4x100xi32, #tpu.memory_space<vmem>> -> memref<1x1x100xi32, #tpu.memory_space<vmem>>
        %dma_wait3A_338 = tpu.memref_squeeze %dma_wait3A_337 : memref<1x1x100xi32, #tpu.memory_space<vmem>> -> memref<100xi32, #tpu.memory_space<vmem>>
        %dma_wait3A_339 = arith.constant 0 : i32
        %dma_wait3A_340 = arith.constant 0 : i32
        %dma_wait3A_341 = tpu.memref_slice %arg9[%dma_wait3A_339, %dma_wait3A_340] : memref<10240x48xf32, #tpu.memory_space<vmem_shared>> -> memref<10240x48xf32, #tpu.memory_space<vmem_shared>>
        tpu.wait_indirect_dma semaphore(%arg12 : memref<!tpu.dma_semaphore, #tpu.memory_space<semaphore_mem>>) src(%dma_wait3A_335 : memref<100x48xf32, #tpu.memory_space<vmem>>) dst(%dma_wait3A_341 : memref<10240x48xf32, #tpu.memory_space<vmem_shared>>)
      } else {
      }
      %rem3A_231 = arith.constant 2 : i32
      %rem3A_232 = arith.remsi %scan3A_194, %rem3A_231 : i32
      %scan3A_233 = arith.constant 0 : i32
      %scan3A_234 = arith.constant 0 : i32
      %scan3A_235 = arith.constant 100 : i32
      %scan3A_236 = arith.addi %scan3A_234, %scan3A_235 : i32
      %scan3A_237 = arith.constant 1 : i32
      scf.for %scan3A_293 = %scan3A_234 to %scan3A_236 step %scan3A_237  : i32 {
        %mul3A_294 = arith.constant 2 : i32
        %mul3A_295 = arith.muli %scan3A_293, %mul3A_294 : i32
        %add3A_296 = arith.constant 0 : i32
        %add3A_297 = arith.addi %mul3A_295, %add3A_296 : i32
        %get3A = arith.index_cast %rem3A_232 : i32 to index
        %get3A_298 = arith.index_cast %add3A_297 : i32 to index
        %get3A_299 = arith.constant 0 : index
        %get3A_300 = tpu.vector_load %arg6[%get3A, %get3A_298, %get3A_299] {strides = array<i32>} : memref<2x200x128xi32, #tpu.memory_space<vmem>>, vector<1x1x16xi32>,
        %get3A_301 = vector.shape_cast %get3A_300 : vector<1x1x16xi32> to vector<16xi32>
        %shift_left3A = arith.constant 16 : i32
        %shift_left3A_302 = vector.broadcast %shift_left3A : i32 to vector<16xi32>
        %shift_left3A_303 = arith.shli %get3A_301, %shift_left3A_302 : vector<16xi32>
        %bitcast_convert_type3A = tpu.bitcast %shift_left3A_303 : vector<16xi32> -> vector<16xf32>
        %shift_right_arithmetic3A = arith.constant 16 : i32
        %shift_right_arithmetic3A_304 = vector.broadcast %shift_right_arithmetic3A : i32 to vector<16xi32>
        %shift_right_arithmetic3A_305 = arith.shrsi %get3A_301, %shift_right_arithmetic3A_304 : vector<16xi32>
        %shift_left3A_306 = arith.constant 16 : i32
        %shift_left3A_307 = vector.broadcast %shift_left3A_306 : i32 to vector<16xi32>
        %shift_left3A_308 = arith.shli %shift_right_arithmetic3A_305, %shift_left3A_307 : vector<16xi32>
        %bitcast_convert_type3A_309 = tpu.bitcast %shift_left3A_308 : vector<16xi32> -> vector<16xf32>
        %mul3A_310 = arith.constant 2 : i32
        %mul3A_311 = arith.muli %mul3A_310, %add3A_297 : i32
        %swap3A = arith.index_cast %rem3A_232 : i32 to index
        %swap3A_312 = arith.index_cast %mul3A_311 : i32 to index
        %swap3A_313 = arith.constant 0 : index
        %swap3A_314 = tpu.vector_load %arg7[%swap3A, %swap3A_312, %swap3A_313] {strides = array<i32>} : memref<2x400x48xf32, #tpu.memory_space<vmem>>, vector<1x1x16xf32>,
        %swap3A_315 = vector.shape_cast %swap3A_314 : vector<1x1x16xf32> to vector<16xf32>
        %swap3A_316 = vector.shape_cast %bitcast_convert_type3A : vector<16xf32> to vector<1x1x16xf32>
        tpu.vector_store %arg7[%swap3A, %swap3A_312, %swap3A_313], %swap3A_316 {strides = array<i32>} : memref<2x400x48xf32, #tpu.memory_space<vmem>>, vector<1x1x16xf32>,
        %mul3A_317 = arith.constant 2 : i32
        %mul3A_318 = arith.muli %mul3A_317, %add3A_297 : i32
        %add3A_319 = arith.constant 1 : i32
        %add3A_320 = arith.addi %mul3A_318, %add3A_319 : i32
        %swap3A_321 = arith.index_cast %rem3A_232 : i32 to index
        %swap3A_322 = arith.index_cast %add3A_320 : i32 to index
        %swap3A_323 = arith.constant 0 : index
        %swap3A_324 = tpu.vector_load %arg7[%swap3A_321, %swap3A_322, %swap3A_323] {strides = array<i32>} : memref<2x400x48xf32, #tpu.memory_space<vmem>>, vector<1x1x16xf32>,
        %swap3A_325 = vector.shape_cast %swap3A_324 : vector<1x1x16xf32> to vector<16xf32>
        %swap3A_326 = vector.shape_cast %bitcast_convert_type3A_309 : vector<16xf32> to vector<1x1x16xf32>
        tpu.vector_store %arg7[%swap3A_321, %swap3A_322, %swap3A_323], %swap3A_326 {strides = array<i32>} : memref<2x400x48xf32, #tpu.memory_space<vmem>>, vector<1x1x16xf32>,
        %get3A_327 = arith.index_cast %rem3A_232 : i32 to index
        %get3A_328 = arith.index_cast %add3A_297 : i32 to index
        %get3A_329 = arith.constant 16 : index
        %get3A_330 = tpu.vector_load %arg6[%get3A_327, %get3A_328, %get3A_329] {strides = array<i32>} : memref<2x200x128xi32, #tpu.memory_space<vmem>>, vector<1x1x16xi32>,
        %get3A_331 = vector.shape_cast %get3A_330 : vector<1x1x16xi32> to vector<16xi32>
        %shift_left3A_332 = arith.constant 16 : i32
        %shift_left3A_333 = vector.broadcast %shift_left3A_332 : i32 to vector<16xi32>
        %shift_left3A_334 = arith.shli %get3A_331, %shift_left3A_333 : vector<16xi32>
        %bitcast_convert_type3A_335 = tpu.bitcast %shift_left3A_334 : vector<16xi32> -> vector<16xf32>
        %shift_right_arithmetic3A_336 = arith.constant 16 : i32
        %shift_right_arithmetic3A_337 = vector.broadcast %shift_right_arithmetic3A_336 : i32 to vector<16xi32>
        %shift_right_arithmetic3A_338 = arith.shrsi %get3A_331, %shift_right_arithmetic3A_337 : vector<16xi32>
        %shift_left3A_339 = arith.constant 16 : i32
        %shift_left3A_340 = vector.broadcast %shift_left3A_339 : i32 to vector<16xi32>
        %shift_left3A_341 = arith.shli %shift_right_arithmetic3A_338, %shift_left3A_340 : vector<16xi32>
        %bitcast_convert_type3A_342 = tpu.bitcast %shift_left3A_341 : vector<16xi32> -> vector<16xf32>
        %mul3A_343 = arith.constant 2 : i32
        %mul3A_344 = arith.muli %mul3A_343, %add3A_297 : i32
        %swap3A_345 = arith.index_cast %rem3A_232 : i32 to index
        %swap3A_346 = arith.index_cast %mul3A_344 : i32 to index
        %swap3A_347 = arith.constant 16 : index
        %swap3A_348 = tpu.vector_load %arg7[%swap3A_345, %swap3A_346, %swap3A_347] {strides = array<i32>} : memref<2x400x48xf32, #tpu.memory_space<vmem>>, vector<1x1x16xf32>,
        %swap3A_349 = vector.shape_cast %swap3A_348 : vector<1x1x16xf32> to vector<16xf32>
        %swap3A_350 = vector.shape_cast %bitcast_convert_type3A_335 : vector<16xf32> to vector<1x1x16xf32>
        tpu.vector_store %arg7[%swap3A_345, %swap3A_346, %swap3A_347], %swap3A_350 {strides = array<i32>} : memref<2x400x48xf32, #tpu.memory_space<vmem>>, vector<1x1x16xf32>,
        %mul3A_351 = arith.constant 2 : i32
        %mul3A_352 = arith.muli %mul3A_351, %add3A_297 : i32
        %add3A_353 = arith.constant 1 : i32
        %add3A_354 = arith.addi %mul3A_352, %add3A_353 : i32
        %swap3A_355 = arith.index_cast %rem3A_232 : i32 to index
        %swap3A_356 = arith.index_cast %add3A_354 : i32 to index
        %swap3A_357 = arith.constant 16 : index
        %swap3A_358 = tpu.vector_load %arg7[%swap3A_355, %swap3A_356, %swap3A_357] {strides = array<i32>} : memref<2x400x48xf32, #tpu.memory_space<vmem>>, vector<1x1x16xf32>,
        %swap3A_359 = vector.shape_cast %swap3A_358 : vector<1x1x16xf32> to vector<16xf32>
        %swap3A_360 = vector.shape_cast %bitcast_convert_type3A_342 : vector<16xf32> to vector<1x1x16xf32>
        tpu.vector_store %arg7[%swap3A_355, %swap3A_356, %swap3A_357], %swap3A_360 {strides = array<i32>} : memref<2x400x48xf32, #tpu.memory_space<vmem>>, vector<1x1x16xf32>,
        %get3A_361 = arith.index_cast %rem3A_232 : i32 to index
        %get3A_362 = arith.index_cast %add3A_297 : i32 to index
        %get3A_363 = arith.constant 32 : index
        %get3A_364 = tpu.vector_load %arg6[%get3A_361, %get3A_362, %get3A_363] {strides = array<i32>} : memref<2x200x128xi32, #tpu.memory_space<vmem>>, vector<1x1x16xi32>,
        %get3A_365 = vector.shape_cast %get3A_364 : vector<1x1x16xi32> to vector<16xi32>
        %shift_left3A_366 = arith.constant 16 : i32
        %shift_left3A_367 = vector.broadcast %shift_left3A_366 : i32 to vector<16xi32>
        %shift_left3A_368 = arith.shli %get3A_365, %shift_left3A_367 : vector<16xi32>
        %bitcast_convert_type3A_369 = tpu.bitcast %shift_left3A_368 : vector<16xi32> -> vector<16xf32>
        %shift_right_arithmetic3A_370 = arith.constant 16 : i32
        %shift_right_arithmetic3A_371 = vector.broadcast %shift_right_arithmetic3A_370 : i32 to vector<16xi32>
        %shift_right_arithmetic3A_372 = arith.shrsi %get3A_365, %shift_right_arithmetic3A_371 : vector<16xi32>
        %shift_left3A_373 = arith.constant 16 : i32
        %shift_left3A_374 = vector.broadcast %shift_left3A_373 : i32 to vector<16xi32>
        %shift_left3A_375 = arith.shli %shift_right_arithmetic3A_372, %shift_left3A_374 : vector<16xi32>
        %bitcast_convert_type3A_376 = tpu.bitcast %shift_left3A_375 : vector<16xi32> -> vector<16xf32>
        %mul3A_377 = arith.constant 2 : i32
        %mul3A_378 = arith.muli %mul3A_377, %add3A_297 : i32
        %swap3A_379 = arith.index_cast %rem3A_232 : i32 to index
        %swap3A_380 = arith.index_cast %mul3A_378 : i32 to index
        %swap3A_381 = arith.constant 32 : index
        %swap3A_382 = tpu.vector_load %arg7[%swap3A_379, %swap3A_380, %swap3A_381] {strides = array<i32>} : memref<2x400x48xf32, #tpu.memory_space<vmem>>, vector<1x1x16xf32>,
        %swap3A_383 = vector.shape_cast %swap3A_382 : vector<1x1x16xf32> to vector<16xf32>
        %swap3A_384 = vector.shape_cast %bitcast_convert_type3A_369 : vector<16xf32> to vector<1x1x16xf32>
        tpu.vector_store %arg7[%swap3A_379, %swap3A_380, %swap3A_381], %swap3A_384 {strides = array<i32>} : memref<2x400x48xf32, #tpu.memory_space<vmem>>, vector<1x1x16xf32>,
        %mul3A_385 = arith.constant 2 : i32
        %mul3A_386 = arith.muli %mul3A_385, %add3A_297 : i32
        %add3A_387 = arith.constant 1 : i32
        %add3A_388 = arith.addi %mul3A_386, %add3A_387 : i32
        %swap3A_389 = arith.index_cast %rem3A_232 : i32 to index
        %swap3A_390 = arith.index_cast %add3A_388 : i32 to index
        %swap3A_391 = arith.constant 32 : index
        %swap3A_392 = tpu.vector_load %arg7[%swap3A_389, %swap3A_390, %swap3A_391] {strides = array<i32>} : memref<2x400x48xf32, #tpu.memory_space<vmem>>, vector<1x1x16xf32>,
        %swap3A_393 = vector.shape_cast %swap3A_392 : vector<1x1x16xf32> to vector<16xf32>
        %swap3A_394 = vector.shape_cast %bitcast_convert_type3A_376 : vector<16xf32> to vector<1x1x16xf32>
        tpu.vector_store %arg7[%swap3A_389, %swap3A_390, %swap3A_391], %swap3A_394 {strides = array<i32>} : memref<2x400x48xf32, #tpu.memory_space<vmem>>, vector<1x1x16xf32>,
        %mul3A_395 = arith.constant 2 : i32
        %mul3A_396 = arith.muli %scan3A_293, %mul3A_395 : i32
        %add3A_397 = arith.constant 1 : i32
        %add3A_398 = arith.addi %mul3A_396, %add3A_397 : i32
        %get3A_399 = arith.index_cast %rem3A_232 : i32 to index
        %get3A_400 = arith.index_cast %add3A_398 : i32 to index
        %get3A_401 = arith.constant 0 : index
        %get3A_402 = tpu.vector_load %arg6[%get3A_399, %get3A_400, %get3A_401] {strides = array<i32>} : memref<2x200x128xi32, #tpu.memory_space<vmem>>, vector<1x1x16xi32>,
        %get3A_403 = vector.shape_cast %get3A_402 : vector<1x1x16xi32> to vector<16xi32>
        %shift_left3A_404 = arith.constant 16 : i32
        %shift_left3A_405 = vector.broadcast %shift_left3A_404 : i32 to vector<16xi32>
        %shift_left3A_406 = arith.shli %get3A_403, %shift_left3A_405 : vector<16xi32>
        %bitcast_convert_type3A_407 = tpu.bitcast %shift_left3A_406 : vector<16xi32> -> vector<16xf32>
        %shift_right_arithmetic3A_408 = arith.constant 16 : i32
        %shift_right_arithmetic3A_409 = vector.broadcast %shift_right_arithmetic3A_408 : i32 to vector<16xi32>
        %shift_right_arithmetic3A_410 = arith.shrsi %get3A_403, %shift_right_arithmetic3A_409 : vector<16xi32>
        %shift_left3A_411 = arith.constant 16 : i32
        %shift_left3A_412 = vector.broadcast %shift_left3A_411 : i32 to vector<16xi32>
        %shift_left3A_413 = arith.shli %shift_right_arithmetic3A_410, %shift_left3A_412 : vector<16xi32>
        %bitcast_convert_type3A_414 = tpu.bitcast %shift_left3A_413 : vector<16xi32> -> vector<16xf32>
        %mul3A_415 = arith.constant 2 : i32
        %mul3A_416 = arith.muli %mul3A_415, %add3A_398 : i32
        %swap3A_417 = arith.index_cast %rem3A_232 : i32 to index
        %swap3A_418 = arith.index_cast %mul3A_416 : i32 to index
        %swap3A_419 = arith.constant 0 : index
        %swap3A_420 = tpu.vector_load %arg7[%swap3A_417, %swap3A_418, %swap3A_419] {strides = array<i32>} : memref<2x400x48xf32, #tpu.memory_space<vmem>>, vector<1x1x16xf32>,
        %swap3A_421 = vector.shape_cast %swap3A_420 : vector<1x1x16xf32> to vector<16xf32>
        %swap3A_422 = vector.shape_cast %bitcast_convert_type3A_407 : vector<16xf32> to vector<1x1x16xf32>
        tpu.vector_store %arg7[%swap3A_417, %swap3A_418, %swap3A_419], %swap3A_422 {strides = array<i32>} : memref<2x400x48xf32, #tpu.memory_space<vmem>>, vector<1x1x16xf32>,
        %mul3A_423 = arith.constant 2 : i32
        %mul3A_424 = arith.muli %mul3A_423, %add3A_398 : i32
        %add3A_425 = arith.constant 1 : i32
        %add3A_426 = arith.addi %mul3A_424, %add3A_425 : i32
        %swap3A_427 = arith.index_cast %rem3A_232 : i32 to index
        %swap3A_428 = arith.index_cast %add3A_426 : i32 to index
        %swap3A_429 = arith.constant 0 : index
        %swap3A_430 = tpu.vector_load %arg7[%swap3A_427, %swap3A_428, %swap3A_429] {strides = array<i32>} : memref<2x400x48xf32, #tpu.memory_space<vmem>>, vector<1x1x16xf32>,
        %swap3A_431 = vector.shape_cast %swap3A_430 : vector<1x1x16xf32> to vector<16xf32>
        %swap3A_432 = vector.shape_cast %bitcast_convert_type3A_414 : vector<16xf32> to vector<1x1x16xf32>
        tpu.vector_store %arg7[%swap3A_427, %swap3A_428, %swap3A_429], %swap3A_432 {strides = array<i32>} : memref<2x400x48xf32, #tpu.memory_space<vmem>>, vector<1x1x16xf32>,
        %get3A_433 = arith.index_cast %rem3A_232 : i32 to index
        %get3A_434 = arith.index_cast %add3A_398 : i32 to index
        %get3A_435 = arith.constant 16 : index
        %get3A_436 = tpu.vector_load %arg6[%get3A_433, %get3A_434, %get3A_435] {strides = array<i32>} : memref<2x200x128xi32, #tpu.memory_space<vmem>>, vector<1x1x16xi32>,
        %get3A_437 = vector.shape_cast %get3A_436 : vector<1x1x16xi32> to vector<16xi32>
        %shift_left3A_438 = arith.constant 16 : i32
        %shift_left3A_439 = vector.broadcast %shift_left3A_438 : i32 to vector<16xi32>
        %shift_left3A_440 = arith.shli %get3A_437, %shift_left3A_439 : vector<16xi32>
        %bitcast_convert_type3A_441 = tpu.bitcast %shift_left3A_440 : vector<16xi32> -> vector<16xf32>
        %shift_right_arithmetic3A_442 = arith.constant 16 : i32
        %shift_right_arithmetic3A_443 = vector.broadcast %shift_right_arithmetic3A_442 : i32 to vector<16xi32>
        %shift_right_arithmetic3A_444 = arith.shrsi %get3A_437, %shift_right_arithmetic3A_443 : vector<16xi32>
        %shift_left3A_445 = arith.constant 16 : i32
        %shift_left3A_446 = vector.broadcast %shift_left3A_445 : i32 to vector<16xi32>
        %shift_left3A_447 = arith.shli %shift_right_arithmetic3A_444, %shift_left3A_446 : vector<16xi32>
        %bitcast_convert_type3A_448 = tpu.bitcast %shift_left3A_447 : vector<16xi32> -> vector<16xf32>
        %mul3A_449 = arith.constant 2 : i32
        %mul3A_450 = arith.muli %mul3A_449, %add3A_398 : i32
        %swap3A_451 = arith.index_cast %rem3A_232 : i32 to index
        %swap3A_452 = arith.index_cast %mul3A_450 : i32 to index
        %swap3A_453 = arith.constant 16 : index
        %swap3A_454 = tpu.vector_load %arg7[%swap3A_451, %swap3A_452, %swap3A_453] {strides = array<i32>} : memref<2x400x48xf32, #tpu.memory_space<vmem>>, vector<1x1x16xf32>,
        %swap3A_455 = vector.shape_cast %swap3A_454 : vector<1x1x16xf32> to vector<16xf32>
        %swap3A_456 = vector.shape_cast %bitcast_convert_type3A_441 : vector<16xf32> to vector<1x1x16xf32>
        tpu.vector_store %arg7[%swap3A_451, %swap3A_452, %swap3A_453], %swap3A_456 {strides = array<i32>} : memref<2x400x48xf32, #tpu.memory_space<vmem>>, vector<1x1x16xf32>,
        %mul3A_457 = arith.constant 2 : i32
        %mul3A_458 = arith.muli %mul3A_457, %add3A_398 : i32
        %add3A_459 = arith.constant 1 : i32
        %add3A_460 = arith.addi %mul3A_458, %add3A_459 : i32
        %swap3A_461 = arith.index_cast %rem3A_232 : i32 to index
        %swap3A_462 = arith.index_cast %add3A_460 : i32 to index
        %swap3A_463 = arith.constant 16 : index
        %swap3A_464 = tpu.vector_load %arg7[%swap3A_461, %swap3A_462, %swap3A_463] {strides = array<i32>} : memref<2x400x48xf32, #tpu.memory_space<vmem>>, vector<1x1x16xf32>,
        %swap3A_465 = vector.shape_cast %swap3A_464 : vector<1x1x16xf32> to vector<16xf32>
        %swap3A_466 = vector.shape_cast %bitcast_convert_type3A_448 : vector<16xf32> to vector<1x1x16xf32>
        tpu.vector_store %arg7[%swap3A_461, %swap3A_462, %swap3A_463], %swap3A_466 {strides = array<i32>} : memref<2x400x48xf32, #tpu.memory_space<vmem>>, vector<1x1x16xf32>,
        %get3A_467 = arith.index_cast %rem3A_232 : i32 to index
        %get3A_468 = arith.index_cast %add3A_398 : i32 to index
        %get3A_469 = arith.constant 32 : index
        %get3A_470 = tpu.vector_load %arg6[%get3A_467, %get3A_468, %get3A_469] {strides = array<i32>} : memref<2x200x128xi32, #tpu.memory_space<vmem>>, vector<1x1x16xi32>,
        %get3A_471 = vector.shape_cast %get3A_470 : vector<1x1x16xi32> to vector<16xi32>
        %shift_left3A_472 = arith.constant 16 : i32
        %shift_left3A_473 = vector.broadcast %shift_left3A_472 : i32 to vector<16xi32>
        %shift_left3A_474 = arith.shli %get3A_471, %shift_left3A_473 : vector<16xi32>
        %bitcast_convert_type3A_475 = tpu.bitcast %shift_left3A_474 : vector<16xi32> -> vector<16xf32>
        %shift_right_arithmetic3A_476 = arith.constant 16 : i32
        %shift_right_arithmetic3A_477 = vector.broadcast %shift_right_arithmetic3A_476 : i32 to vector<16xi32>
        %shift_right_arithmetic3A_478 = arith.shrsi %get3A_471, %shift_right_arithmetic3A_477 : vector<16xi32>
        %shift_left3A_479 = arith.constant 16 : i32
        %shift_left3A_480 = vector.broadcast %shift_left3A_479 : i32 to vector<16xi32>
        %shift_left3A_481 = arith.shli %shift_right_arithmetic3A_478, %shift_left3A_480 : vector<16xi32>
        %bitcast_convert_type3A_482 = tpu.bitcast %shift_left3A_481 : vector<16xi32> -> vector<16xf32>
        %mul3A_483 = arith.constant 2 : i32
        %mul3A_484 = arith.muli %mul3A_483, %add3A_398 : i32
        %swap3A_485 = arith.index_cast %rem3A_232 : i32 to index
        %swap3A_486 = arith.index_cast %mul3A_484 : i32 to index
        %swap3A_487 = arith.constant 32 : index
        %swap3A_488 = tpu.vector_load %arg7[%swap3A_485, %swap3A_486, %swap3A_487] {strides = array<i32>} : memref<2x400x48xf32, #tpu.memory_space<vmem>>, vector<1x1x16xf32>,
        %swap3A_489 = vector.shape_cast %swap3A_488 : vector<1x1x16xf32> to vector<16xf32>
        %swap3A_490 = vector.shape_cast %bitcast_convert_type3A_475 : vector<16xf32> to vector<1x1x16xf32>
        tpu.vector_store %arg7[%swap3A_485, %swap3A_486, %swap3A_487], %swap3A_490 {strides = array<i32>} : memref<2x400x48xf32, #tpu.memory_space<vmem>>, vector<1x1x16xf32>,
        %mul3A_491 = arith.constant 2 : i32
        %mul3A_492 = arith.muli %mul3A_491, %add3A_398 : i32
        %add3A_493 = arith.constant 1 : i32
        %add3A_494 = arith.addi %mul3A_492, %add3A_493 : i32
        %swap3A_495 = arith.index_cast %rem3A_232 : i32 to index
        %swap3A_496 = arith.index_cast %add3A_494 : i32 to index
        %swap3A_497 = arith.constant 32 : index
        %swap3A_498 = tpu.vector_load %arg7[%swap3A_495, %swap3A_496, %swap3A_497] {strides = array<i32>} : memref<2x400x48xf32, #tpu.memory_space<vmem>>, vector<1x1x16xf32>,
        %swap3A_499 = vector.shape_cast %swap3A_498 : vector<1x1x16xf32> to vector<16xf32>
        %swap3A_500 = vector.shape_cast %bitcast_convert_type3A_482 : vector<16xf32> to vector<1x1x16xf32>
        tpu.vector_store %arg7[%swap3A_495, %swap3A_496, %swap3A_497], %swap3A_500 {strides = array<i32>} : memref<2x400x48xf32, #tpu.memory_space<vmem>>, vector<1x1x16xf32>,
      }
      %scan3A_238 = arith.constant 100 : i32
      %add3A_239 = arith.constant 2 : i32
      %add3A_240 = arith.addi %scan3A_194, %add3A_239 : i32
      %lt3A = arith.constant 25 : i32
      %lt3A_241 = arith.cmpi slt, %add3A_240, %lt3A : i32
      %convert_element_type3A_242 = arith.extui %lt3A_241 : i1 to i32
      %cond3A_243 = arith.constant 0 : i32
      %cond3A_244 = arith.cmpi ne, %convert_element_type3A_242, %cond3A_243 : i32
      scf.if %cond3A_244 {
        %add3A_293 = arith.constant 2 : i32
        %add3A_294 = arith.addi %scan3A_194, %add3A_293 : i32
        %rem3A_295 = arith.constant 2 : i32
        %rem3A_296 = arith.remsi %add3A_294, %rem3A_295 : i32
        %rem3A_297 = arith.constant 4 : i32
        %rem3A_298 = arith.remsi %add3A_294, %rem3A_297 : i32
        %mul3A_299 = arith.constant 200 : i32
        %mul3A_300 = arith.muli %add3A_294, %mul3A_299 : i32
        %add3A_301 = arith.addi %mul3A_2, %mul3A_300 : i32
        %dma_start3A_302 = arith.constant 0 : i32
        %dma_start3A_303 = arith.constant 0 : i32
        %dma_start3A_304 = tpu.memref_slice %arg6[%rem3A_296, %dma_start3A_302, %dma_start3A_303] : memref<2x200x128xi32, #tpu.memory_space<vmem>> -> memref<1x200x128xi32, #tpu.memory_space<vmem>>
        %dma_start3A_305 = tpu.memref_squeeze %dma_start3A_304 : memref<1x200x128xi32, #tpu.memory_space<vmem>> -> memref<200x128xi32, #tpu.memory_space<vmem>>
        %dma_start3A_306 = arith.constant 0 : i32
        %dma_start3A_307 = tpu.memref_slice %arg2[%add3A_301, %dma_start3A_306] : memref<160000x128xi32, #tpu.memory_space<hbm>> -> memref<200x128xi32, #tpu.memory_space<hbm>>
        %dma_start3A_308 = arith.constant 0 : i32
        %dma_start3A_309 = arith.constant 0 : i32
        %dma_start3A_310 = tpu.memref_slice %arg6[%rem3A_296, %dma_start3A_308, %dma_start3A_309] : memref<2x200x128xi32, #tpu.memory_space<vmem>> -> memref<1x200x128xi32, #tpu.memory_space<vmem>>
        %dma_start3A_311 = tpu.memref_squeeze %dma_start3A_310 : memref<1x200x128xi32, #tpu.memory_space<vmem>> -> memref<200x128xi32, #tpu.memory_space<vmem>>
        %dma_start3A_312 = arith.constant 0 : i32
        %dma_start3A_313 = tpu.memref_slice %arg2[%add3A_301, %dma_start3A_312] : memref<160000x128xi32, #tpu.memory_space<hbm>> -> memref<200x128xi32, #tpu.memory_space<hbm>>
        tpu.enqueue_dma source(%dma_start3A_313 : memref<200x128xi32, #tpu.memory_space<hbm>>) target(%dma_start3A_311 : memref<200x128xi32, #tpu.memory_space<vmem>>) target_semaphore(%arg10 : memref<!tpu.dma_semaphore, #tpu.memory_space<semaphore_mem>>)
        %mul3A_314 = arith.constant 25 : i32
        %mul3A_315 = arith.muli %add3A, %mul3A_314 : i32
        %add3A_316 = arith.addi %mul3A_315, %add3A_294 : i32
        %dma_start3A_317 = arith.constant 0 : i32
        %dma_start3A_318 = arith.constant 0 : i32
        %dma_start3A_319 = tpu.memref_slice %arg8[%rem3A_298, %dma_start3A_317, %dma_start3A_318] : memref<4x4x100xi32, #tpu.memory_space<vmem>> -> memref<1x4x100xi32, #tpu.memory_space<vmem>>
        %dma_start3A_320 = tpu.memref_squeeze %dma_start3A_319 : memref<1x4x100xi32, #tpu.memory_space<vmem>> -> memref<4x100xi32, #tpu.memory_space<vmem>>
        %dma_start3A_321 = arith.constant 0 : i32
        %dma_start3A_322 = arith.constant 0 : i32
        %dma_start3A_323 = tpu.memref_slice %arg3[%add3A_316, %dma_start3A_321, %dma_start3A_322] : memref<800x4x100xi32, #tpu.memory_space<hbm>> -> memref<1x4x100xi32, #tpu.memory_space<hbm>>
        %dma_start3A_324 = tpu.memref_squeeze %dma_start3A_323 : memref<1x4x100xi32, #tpu.memory_space<hbm>> -> memref<4x100xi32, #tpu.memory_space<hbm>>
        %dma_start3A_325 = arith.constant 0 : i32
        %dma_start3A_326 = arith.constant 0 : i32
        %dma_start3A_327 = tpu.memref_slice %arg8[%rem3A_298, %dma_start3A_325, %dma_start3A_326] : memref<4x4x100xi32, #tpu.memory_space<vmem>> -> memref<1x4x100xi32, #tpu.memory_space<vmem>>
        %dma_start3A_328 = tpu.memref_squeeze %dma_start3A_327 : memref<1x4x100xi32, #tpu.memory_space<vmem>> -> memref<4x100xi32, #tpu.memory_space<vmem>>
        %dma_start3A_329 = arith.constant 0 : i32
        %dma_start3A_330 = arith.constant 0 : i32
        %dma_start3A_331 = tpu.memref_slice %arg3[%add3A_316, %dma_start3A_329, %dma_start3A_330] : memref<800x4x100xi32, #tpu.memory_space<hbm>> -> memref<1x4x100xi32, #tpu.memory_space<hbm>>
        %dma_start3A_332 = tpu.memref_squeeze %dma_start3A_331 : memref<1x4x100xi32, #tpu.memory_space<hbm>> -> memref<4x100xi32, #tpu.memory_space<hbm>>
        tpu.enqueue_dma source(%dma_start3A_332 : memref<4x100xi32, #tpu.memory_space<hbm>>) target(%dma_start3A_328 : memref<4x100xi32, #tpu.memory_space<vmem>>) target_semaphore(%arg11 : memref<!tpu.dma_semaphore, #tpu.memory_space<semaphore_mem>>)
      } else {
      }
      %rem3A_245 = arith.constant 2 : i32
      %rem3A_246 = arith.remsi %scan3A_194, %rem3A_245 : i32
      %rem3A_247 = arith.constant 4 : i32
      %rem3A_248 = arith.remsi %scan3A_194, %rem3A_247 : i32
      %dma_start3A_249 = arith.constant 0 : i32
      %dma_start3A_250 = arith.constant 0 : i32
      %dma_start3A_251 = arith.constant 0 : i32
      %dma_start3A_252 = tpu.memref_slice %arg7[%rem3A_246, %dma_start3A_250, %dma_start3A_251] : memref<2x400x48xf32, #tpu.memory_space<vmem>> -> memref<1x100x48xf32, #tpu.memory_space<vmem>>
      %dma_start3A_253 = tpu.memref_squeeze %dma_start3A_252 : memref<1x100x48xf32, #tpu.memory_space<vmem>> -> memref<100x48xf32, #tpu.memory_space<vmem>>
      %dma_start3A_254 = arith.constant 0 : i32
      %dma_start3A_255 = tpu.memref_slice %arg8[%rem3A_248, %dma_start3A_249, %dma_start3A_254] : memref<4x4x100xi32, #tpu.memory_space<vmem>> -> memref<1x1x100xi32, #tpu.memory_space<vmem>>
      %dma_start3A_256 = tpu.memref_squeeze %dma_start3A_255 : memref<1x1x100xi32, #tpu.memory_space<vmem>> -> memref<100xi32, #tpu.memory_space<vmem>>
      %dma_start3A_257 = arith.constant 0 : i32
      %dma_start3A_258 = arith.constant 0 : i32
      %dma_start3A_259 = tpu.memref_slice %arg9[%dma_start3A_257, %dma_start3A_258] : memref<10240x48xf32, #tpu.memory_space<vmem_shared>> -> memref<10240x48xf32, #tpu.memory_space<vmem_shared>>
      tpu.enqueue_indirect_dma source(%dma_start3A_253 : memref<100x48xf32, #tpu.memory_space<vmem>>) target(%dma_start3A_259 : memref<10240x48xf32, #tpu.memory_space<vmem_shared>>) offsets(%dma_start3A_256 : memref<100xi32, #tpu.memory_space<vmem>>) semaphore(%arg12 : memref<!tpu.dma_semaphore, #tpu.memory_space<semaphore_mem>>) {add = true}
      %dma_start3A_260 = arith.constant 1 : i32
      %dma_start3A_261 = arith.constant 100 : i32
      %dma_start3A_262 = arith.constant 0 : i32
      %dma_start3A_263 = tpu.memref_slice %arg7[%rem3A_246, %dma_start3A_261, %dma_start3A_262] : memref<2x400x48xf32, #tpu.memory_space<vmem>> -> memref<1x100x48xf32, #tpu.memory_space<vmem>>
      %dma_start3A_264 = tpu.memref_squeeze %dma_start3A_263 : memref<1x100x48xf32, #tpu.memory_space<vmem>> -> memref<100x48xf32, #tpu.memory_space<vmem>>
      %dma_start3A_265 = arith.constant 0 : i32
      %dma_start3A_266 = tpu.memref_slice %arg8[%rem3A_248, %dma_start3A_260, %dma_start3A_265] : memref<4x4x100xi32, #tpu.memory_space<vmem>> -> memref<1x1x100xi32, #tpu.memory_space<vmem>>
      %dma_start3A_267 = tpu.memref_squeeze %dma_start3A_266 : memref<1x1x100xi32, #tpu.memory_space<vmem>> -> memref<100xi32, #tpu.memory_space<vmem>>
      %dma_start3A_268 = arith.constant 0 : i32
      %dma_start3A_269 = arith.constant 0 : i32
      %dma_start3A_270 = tpu.memref_slice %arg9[%dma_start3A_268, %dma_start3A_269] : memref<10240x48xf32, #tpu.memory_space<vmem_shared>> -> memref<10240x48xf32, #tpu.memory_space<vmem_shared>>
      tpu.enqueue_indirect_dma source(%dma_start3A_264 : memref<100x48xf32, #tpu.memory_space<vmem>>) target(%dma_start3A_270 : memref<10240x48xf32, #tpu.memory_space<vmem_shared>>) offsets(%dma_start3A_267 : memref<100xi32, #tpu.memory_space<vmem>>) semaphore(%arg12 : memref<!tpu.dma_semaphore, #tpu.memory_space<semaphore_mem>>) {add = true}
      %dma_start3A_271 = arith.constant 2 : i32
      %dma_start3A_272 = arith.constant 200 : i32
      %dma_start3A_273 = arith.constant 0 : i32
      %dma_start3A_274 = tpu.memref_slice %arg7[%rem3A_246, %dma_start3A_272, %dma_start3A_273] : memref<2x400x48xf32, #tpu.memory_space<vmem>> -> memref<1x100x48xf32, #tpu.memory_space<vmem>>
      %dma_start3A_275 = tpu.memref_squeeze %dma_start3A_274 : memref<1x100x48xf32, #tpu.memory_space<vmem>> -> memref<100x48xf32, #tpu.memory_space<vmem>>
      %dma_start3A_276 = arith.constant 0 : i32
      %dma_start3A_277 = tpu.memref_slice %arg8[%rem3A_248, %dma_start3A_271, %dma_start3A_276] : memref<4x4x100xi32, #tpu.memory_space<vmem>> -> memref<1x1x100xi32, #tpu.memory_space<vmem>>
      %dma_start3A_278 = tpu.memref_squeeze %dma_start3A_277 : memref<1x1x100xi32, #tpu.memory_space<vmem>> -> memref<100xi32, #tpu.memory_space<vmem>>
      %dma_start3A_279 = arith.constant 0 : i32
      %dma_start3A_280 = arith.constant 0 : i32
      %dma_start3A_281 = tpu.memref_slice %arg9[%dma_start3A_279, %dma_start3A_280] : memref<10240x48xf32, #tpu.memory_space<vmem_shared>> -> memref<10240x48xf32, #tpu.memory_space<vmem_shared>>
      tpu.enqueue_indirect_dma source(%dma_start3A_275 : memref<100x48xf32, #tpu.memory_space<vmem>>) target(%dma_start3A_281 : memref<10240x48xf32, #tpu.memory_space<vmem_shared>>) offsets(%dma_start3A_278 : memref<100xi32, #tpu.memory_space<vmem>>) semaphore(%arg12 : memref<!tpu.dma_semaphore, #tpu.memory_space<semaphore_mem>>) {add = true}
      %dma_start3A_282 = arith.constant 3 : i32
      %dma_start3A_283 = arith.constant 300 : i32
      %dma_start3A_284 = arith.constant 0 : i32
      %dma_start3A_285 = tpu.memref_slice %arg7[%rem3A_246, %dma_start3A_283, %dma_start3A_284] : memref<2x400x48xf32, #tpu.memory_space<vmem>> -> memref<1x100x48xf32, #tpu.memory_space<vmem>>
      %dma_start3A_286 = tpu.memref_squeeze %dma_start3A_285 : memref<1x100x48xf32, #tpu.memory_space<vmem>> -> memref<100x48xf32, #tpu.memory_space<vmem>>
      %dma_start3A_287 = arith.constant 0 : i32
      %dma_start3A_288 = tpu.memref_slice %arg8[%rem3A_248, %dma_start3A_282, %dma_start3A_287] : memref<4x4x100xi32, #tpu.memory_space<vmem>> -> memref<1x1x100xi32, #tpu.memory_space<vmem>>
      %dma_start3A_289 = tpu.memref_squeeze %dma_start3A_288 : memref<1x1x100xi32, #tpu.memory_space<vmem>> -> memref<100xi32, #tpu.memory_space<vmem>>
      %dma_start3A_290 = arith.constant 0 : i32
      %dma_start3A_291 = arith.constant 0 : i32
      %dma_start3A_292 = tpu.memref_slice %arg9[%dma_start3A_290, %dma_start3A_291] : memref<10240x48xf32, #tpu.memory_space<vmem_shared>> -> memref<10240x48xf32, #tpu.memory_space<vmem_shared>>
      tpu.enqueue_indirect_dma source(%dma_start3A_286 : memref<100x48xf32, #tpu.memory_space<vmem>>) target(%dma_start3A_292 : memref<10240x48xf32, #tpu.memory_space<vmem_shared>>) offsets(%dma_start3A_289 : memref<100xi32, #tpu.memory_space<vmem>>) semaphore(%arg12 : memref<!tpu.dma_semaphore, #tpu.memory_space<semaphore_mem>>) {add = true}
    }
    %scan3A_89 = arith.constant 25 : i32
    %rem3A_90 = arith.constant 23 : i32
    %rem3A_91 = arith.constant 2 : i32
    %rem3A_92 = arith.remsi %rem3A_90, %rem3A_91 : i32
    %rem3A_93 = arith.constant 23 : i32
    %rem3A_94 = arith.constant 4 : i32
    %rem3A_95 = arith.remsi %rem3A_93, %rem3A_94 : i32
    %dma_wait3A = arith.constant 0 : i32
    %dma_wait3A_96 = arith.constant 0 : i32
    %dma_wait3A_97 = arith.constant 0 : i32
    %dma_wait3A_98 = tpu.memref_slice %arg7[%rem3A_92, %dma_wait3A_96, %dma_wait3A_97] : memref<2x400x48xf32, #tpu.memory_space<vmem>> -> memref<1x100x48xf32, #tpu.memory_space<vmem>>
    %dma_wait3A_99 = tpu.memref_squeeze %dma_wait3A_98 : memref<1x100x48xf32, #tpu.memory_space<vmem>> -> memref<100x48xf32, #tpu.memory_space<vmem>>
    %dma_wait3A_100 = arith.constant 0 : i32
    %dma_wait3A_101 = tpu.memref_slice %arg8[%rem3A_95, %dma_wait3A, %dma_wait3A_100] : memref<4x4x100xi32, #tpu.memory_space<vmem>> -> memref<1x1x100xi32, #tpu.memory_space<vmem>>
    %dma_wait3A_102 = tpu.memref_squeeze %dma_wait3A_101 : memref<1x1x100xi32, #tpu.memory_space<vmem>> -> memref<100xi32, #tpu.memory_space<vmem>>
    %dma_wait3A_103 = arith.constant 0 : i32
    %dma_wait3A_104 = arith.constant 0 : i32
    %dma_wait3A_105 = tpu.memref_slice %arg9[%dma_wait3A_103, %dma_wait3A_104] : memref<10240x48xf32, #tpu.memory_space<vmem_shared>> -> memref<10240x48xf32, #tpu.memory_space<vmem_shared>>
    tpu.wait_indirect_dma semaphore(%arg12 : memref<!tpu.dma_semaphore, #tpu.memory_space<semaphore_mem>>) src(%dma_wait3A_99 : memref<100x48xf32, #tpu.memory_space<vmem>>) dst(%dma_wait3A_105 : memref<10240x48xf32, #tpu.memory_space<vmem_shared>>)
    %dma_wait3A_106 = arith.constant 1 : i32
    %dma_wait3A_107 = arith.constant 100 : i32
    %dma_wait3A_108 = arith.constant 0 : i32
    %dma_wait3A_109 = tpu.memref_slice %arg7[%rem3A_92, %dma_wait3A_107, %dma_wait3A_108] : memref<2x400x48xf32, #tpu.memory_space<vmem>> -> memref<1x100x48xf32, #tpu.memory_space<vmem>>
    %dma_wait3A_110 = tpu.memref_squeeze %dma_wait3A_109 : memref<1x100x48xf32, #tpu.memory_space<vmem>> -> memref<100x48xf32, #tpu.memory_space<vmem>>
    %dma_wait3A_111 = arith.constant 0 : i32
    %dma_wait3A_112 = tpu.memref_slice %arg8[%rem3A_95, %dma_wait3A_106, %dma_wait3A_111] : memref<4x4x100xi32, #tpu.memory_space<vmem>> -> memref<1x1x100xi32, #tpu.memory_space<vmem>>
    %dma_wait3A_113 = tpu.memref_squeeze %dma_wait3A_112 : memref<1x1x100xi32, #tpu.memory_space<vmem>> -> memref<100xi32, #tpu.memory_space<vmem>>
    %dma_wait3A_114 = arith.constant 0 : i32
    %dma_wait3A_115 = arith.constant 0 : i32
    %dma_wait3A_116 = tpu.memref_slice %arg9[%dma_wait3A_114, %dma_wait3A_115] : memref<10240x48xf32, #tpu.memory_space<vmem_shared>> -> memref<10240x48xf32, #tpu.memory_space<vmem_shared>>
    tpu.wait_indirect_dma semaphore(%arg12 : memref<!tpu.dma_semaphore, #tpu.memory_space<semaphore_mem>>) src(%dma_wait3A_110 : memref<100x48xf32, #tpu.memory_space<vmem>>) dst(%dma_wait3A_116 : memref<10240x48xf32, #tpu.memory_space<vmem_shared>>)
    %dma_wait3A_117 = arith.constant 2 : i32
    %dma_wait3A_118 = arith.constant 200 : i32
    %dma_wait3A_119 = arith.constant 0 : i32
    %dma_wait3A_120 = tpu.memref_slice %arg7[%rem3A_92, %dma_wait3A_118, %dma_wait3A_119] : memref<2x400x48xf32, #tpu.memory_space<vmem>> -> memref<1x100x48xf32, #tpu.memory_space<vmem>>
    %dma_wait3A_121 = tpu.memref_squeeze %dma_wait3A_120 : memref<1x100x48xf32, #tpu.memory_space<vmem>> -> memref<100x48xf32, #tpu.memory_space<vmem>>
    %dma_wait3A_122 = arith.constant 0 : i32
    %dma_wait3A_123 = tpu.memref_slice %arg8[%rem3A_95, %dma_wait3A_117, %dma_wait3A_122] : memref<4x4x100xi32, #tpu.memory_space<vmem>> -> memref<1x1x100xi32, #tpu.memory_space<vmem>>
    %dma_wait3A_124 = tpu.memref_squeeze %dma_wait3A_123 : memref<1x1x100xi32, #tpu.memory_space<vmem>> -> memref<100xi32, #tpu.memory_space<vmem>>
    %dma_wait3A_125 = arith.constant 0 : i32
    %dma_wait3A_126 = arith.constant 0 : i32
    %dma_wait3A_127 = tpu.memref_slice %arg9[%dma_wait3A_125, %dma_wait3A_126] : memref<10240x48xf32, #tpu.memory_space<vmem_shared>> -> memref<10240x48xf32, #tpu.memory_space<vmem_shared>>
    tpu.wait_indirect_dma semaphore(%arg12 : memref<!tpu.dma_semaphore, #tpu.memory_space<semaphore_mem>>) src(%dma_wait3A_121 : memref<100x48xf32, #tpu.memory_space<vmem>>) dst(%dma_wait3A_127 : memref<10240x48xf32, #tpu.memory_space<vmem_shared>>)
    %dma_wait3A_128 = arith.constant 3 : i32
    %dma_wait3A_129 = arith.constant 300 : i32
    %dma_wait3A_130 = arith.constant 0 : i32
    %dma_wait3A_131 = tpu.memref_slice %arg7[%rem3A_92, %dma_wait3A_129, %dma_wait3A_130] : memref<2x400x48xf32, #tpu.memory_space<vmem>> -> memref<1x100x48xf32, #tpu.memory_space<vmem>>
    %dma_wait3A_132 = tpu.memref_squeeze %dma_wait3A_131 : memref<1x100x48xf32, #tpu.memory_space<vmem>> -> memref<100x48xf32, #tpu.memory_space<vmem>>
    %dma_wait3A_133 = arith.constant 0 : i32
    %dma_wait3A_134 = tpu.memref_slice %arg8[%rem3A_95, %dma_wait3A_128, %dma_wait3A_133] : memref<4x4x100xi32, #tpu.memory_space<vmem>> -> memref<1x1x100xi32, #tpu.memory_space<vmem>>
    %dma_wait3A_135 = tpu.memref_squeeze %dma_wait3A_134 : memref<1x1x100xi32, #tpu.memory_space<vmem>> -> memref<100xi32, #tpu.memory_space<vmem>>
    %dma_wait3A_136 = arith.constant 0 : i32
    %dma_wait3A_137 = arith.constant 0 : i32
    %dma_wait3A_138 = tpu.memref_slice %arg9[%dma_wait3A_136, %dma_wait3A_137] : memref<10240x48xf32, #tpu.memory_space<vmem_shared>> -> memref<10240x48xf32, #tpu.memory_space<vmem_shared>>
    tpu.wait_indirect_dma semaphore(%arg12 : memref<!tpu.dma_semaphore, #tpu.memory_space<semaphore_mem>>) src(%dma_wait3A_132 : memref<100x48xf32, #tpu.memory_space<vmem>>) dst(%dma_wait3A_138 : memref<10240x48xf32, #tpu.memory_space<vmem_shared>>)
    %rem3A_139 = arith.constant 24 : i32
    %rem3A_140 = arith.constant 2 : i32
    %rem3A_141 = arith.remsi %rem3A_139, %rem3A_140 : i32
    %rem3A_142 = arith.constant 24 : i32
    %rem3A_143 = arith.constant 4 : i32
    %rem3A_144 = arith.remsi %rem3A_142, %rem3A_143 : i32
    %dma_wait3A_145 = arith.constant 0 : i32
    %dma_wait3A_146 = arith.constant 0 : i32
    %dma_wait3A_147 = arith.constant 0 : i32
    %dma_wait3A_148 = tpu.memref_slice %arg7[%rem3A_141, %dma_wait3A_146, %dma_wait3A_147] : memref<2x400x48xf32, #tpu.memory_space<vmem>> -> memref<1x100x48xf32, #tpu.memory_space<vmem>>
    %dma_wait3A_149 = tpu.memref_squeeze %dma_wait3A_148 : memref<1x100x48xf32, #tpu.memory_space<vmem>> -> memref<100x48xf32, #tpu.memory_space<vmem>>
    %dma_wait3A_150 = arith.constant 0 : i32
    %dma_wait3A_151 = tpu.memref_slice %arg8[%rem3A_144, %dma_wait3A_145, %dma_wait3A_150] : memref<4x4x100xi32, #tpu.memory_space<vmem>> -> memref<1x1x100xi32, #tpu.memory_space<vmem>>
    %dma_wait3A_152 = tpu.memref_squeeze %dma_wait3A_151 : memref<1x1x100xi32, #tpu.memory_space<vmem>> -> memref<100xi32, #tpu.memory_space<vmem>>
    %dma_wait3A_153 = arith.constant 0 : i32
    %dma_wait3A_154 = arith.constant 0 : i32
    %dma_wait3A_155 = tpu.memref_slice %arg9[%dma_wait3A_153, %dma_wait3A_154] : memref<10240x48xf32, #tpu.memory_space<vmem_shared>> -> memref<10240x48xf32, #tpu.memory_space<vmem_shared>>
    tpu.wait_indirect_dma semaphore(%arg12 : memref<!tpu.dma_semaphore, #tpu.memory_space<semaphore_mem>>) src(%dma_wait3A_149 : memref<100x48xf32, #tpu.memory_space<vmem>>) dst(%dma_wait3A_155 : memref<10240x48xf32, #tpu.memory_space<vmem_shared>>)
    %dma_wait3A_156 = arith.constant 1 : i32
    %dma_wait3A_157 = arith.constant 100 : i32
    %dma_wait3A_158 = arith.constant 0 : i32
    %dma_wait3A_159 = tpu.memref_slice %arg7[%rem3A_141, %dma_wait3A_157, %dma_wait3A_158] : memref<2x400x48xf32, #tpu.memory_space<vmem>> -> memref<1x100x48xf32, #tpu.memory_space<vmem>>
    %dma_wait3A_160 = tpu.memref_squeeze %dma_wait3A_159 : memref<1x100x48xf32, #tpu.memory_space<vmem>> -> memref<100x48xf32, #tpu.memory_space<vmem>>
    %dma_wait3A_161 = arith.constant 0 : i32
    %dma_wait3A_162 = tpu.memref_slice %arg8[%rem3A_144, %dma_wait3A_156, %dma_wait3A_161] : memref<4x4x100xi32, #tpu.memory_space<vmem>> -> memref<1x1x100xi32, #tpu.memory_space<vmem>>
    %dma_wait3A_163 = tpu.memref_squeeze %dma_wait3A_162 : memref<1x1x100xi32, #tpu.memory_space<vmem>> -> memref<100xi32, #tpu.memory_space<vmem>>
    %dma_wait3A_164 = arith.constant 0 : i32
    %dma_wait3A_165 = arith.constant 0 : i32
    %dma_wait3A_166 = tpu.memref_slice %arg9[%dma_wait3A_164, %dma_wait3A_165] : memref<10240x48xf32, #tpu.memory_space<vmem_shared>> -> memref<10240x48xf32, #tpu.memory_space<vmem_shared>>
    tpu.wait_indirect_dma semaphore(%arg12 : memref<!tpu.dma_semaphore, #tpu.memory_space<semaphore_mem>>) src(%dma_wait3A_160 : memref<100x48xf32, #tpu.memory_space<vmem>>) dst(%dma_wait3A_166 : memref<10240x48xf32, #tpu.memory_space<vmem_shared>>)
    %dma_wait3A_167 = arith.constant 2 : i32
    %dma_wait3A_168 = arith.constant 200 : i32
    %dma_wait3A_169 = arith.constant 0 : i32
    %dma_wait3A_170 = tpu.memref_slice %arg7[%rem3A_141, %dma_wait3A_168, %dma_wait3A_169] : memref<2x400x48xf32, #tpu.memory_space<vmem>> -> memref<1x100x48xf32, #tpu.memory_space<vmem>>
    %dma_wait3A_171 = tpu.memref_squeeze %dma_wait3A_170 : memref<1x100x48xf32, #tpu.memory_space<vmem>> -> memref<100x48xf32, #tpu.memory_space<vmem>>
    %dma_wait3A_172 = arith.constant 0 : i32
    %dma_wait3A_173 = tpu.memref_slice %arg8[%rem3A_144, %dma_wait3A_167, %dma_wait3A_172] : memref<4x4x100xi32, #tpu.memory_space<vmem>> -> memref<1x1x100xi32, #tpu.memory_space<vmem>>
    %dma_wait3A_174 = tpu.memref_squeeze %dma_wait3A_173 : memref<1x1x100xi32, #tpu.memory_space<vmem>> -> memref<100xi32, #tpu.memory_space<vmem>>
    %dma_wait3A_175 = arith.constant 0 : i32
    %dma_wait3A_176 = arith.constant 0 : i32
    %dma_wait3A_177 = tpu.memref_slice %arg9[%dma_wait3A_175, %dma_wait3A_176] : memref<10240x48xf32, #tpu.memory_space<vmem_shared>> -> memref<10240x48xf32, #tpu.memory_space<vmem_shared>>
    tpu.wait_indirect_dma semaphore(%arg12 : memref<!tpu.dma_semaphore, #tpu.memory_space<semaphore_mem>>) src(%dma_wait3A_171 : memref<100x48xf32, #tpu.memory_space<vmem>>) dst(%dma_wait3A_177 : memref<10240x48xf32, #tpu.memory_space<vmem_shared>>)
    %dma_wait3A_178 = arith.constant 3 : i32
    %dma_wait3A_179 = arith.constant 300 : i32
    %dma_wait3A_180 = arith.constant 0 : i32
    %dma_wait3A_181 = tpu.memref_slice %arg7[%rem3A_141, %dma_wait3A_179, %dma_wait3A_180] : memref<2x400x48xf32, #tpu.memory_space<vmem>> -> memref<1x100x48xf32, #tpu.memory_space<vmem>>
    %dma_wait3A_182 = tpu.memref_squeeze %dma_wait3A_181 : memref<1x100x48xf32, #tpu.memory_space<vmem>> -> memref<100x48xf32, #tpu.memory_space<vmem>>
    %dma_wait3A_183 = arith.constant 0 : i32
    %dma_wait3A_184 = tpu.memref_slice %arg8[%rem3A_144, %dma_wait3A_178, %dma_wait3A_183] : memref<4x4x100xi32, #tpu.memory_space<vmem>> -> memref<1x1x100xi32, #tpu.memory_space<vmem>>
    %dma_wait3A_185 = tpu.memref_squeeze %dma_wait3A_184 : memref<1x1x100xi32, #tpu.memory_space<vmem>> -> memref<100xi32, #tpu.memory_space<vmem>>
    %dma_wait3A_186 = arith.constant 0 : i32
    %dma_wait3A_187 = arith.constant 0 : i32
    %dma_wait3A_188 = tpu.memref_slice %arg9[%dma_wait3A_186, %dma_wait3A_187] : memref<10240x48xf32, #tpu.memory_space<vmem_shared>> -> memref<10240x48xf32, #tpu.memory_space<vmem_shared>>
    tpu.wait_indirect_dma semaphore(%arg12 : memref<!tpu.dma_semaphore, #tpu.memory_space<semaphore_mem>>) src(%dma_wait3A_182 : memref<100x48xf32, #tpu.memory_space<vmem>>) dst(%dma_wait3A_188 : memref<10240x48xf32, #tpu.memory_space<vmem_shared>>)
    %barrier3A_189 = arith.constant 0 : index
    tpu.barrier barrier_id(%barrier3A_189)
    %mul3A_190 = arith.constant 640 : i32
    %mul3A_191 = arith.muli %arg1, %mul3A_190 : i32
    %mul3A_192 = arith.constant 640 : i32
    %mul3A_193 = arith.muli %arg1, %mul3A_192 : i32
    "tpu.region"() ({
      %run_scoped3A = tpu.sem_alloc : memref<!tpu.dma_semaphore, #tpu.memory_space<semaphore_mem>>
      %dma_start3A_194 = arith.constant 0 : i32
      %dma_start3A_195 = tpu.memref_slice %arg5[%arg0, %mul3A_193, %dma_start3A_194] : memref<2x10240x48xf32, #tpu.memory_space<hbm>> -> memref<1x640x48xf32, #tpu.memory_space<hbm>>
      %dma_start3A_196 = tpu.memref_squeeze %dma_start3A_195 : memref<1x640x48xf32, #tpu.memory_space<hbm>> -> memref<640x48xf32, #tpu.memory_space<hbm>>
      %dma_start3A_197 = arith.constant 0 : i32
      %dma_start3A_198 = tpu.memref_slice %arg9[%mul3A_191, %dma_start3A_197] : memref<10240x48xf32, #tpu.memory_space<vmem_shared>> -> memref<640x48xf32, #tpu.memory_space<vmem_shared>>
      tpu.enqueue_dma source(%dma_start3A_198 : memref<640x48xf32, #tpu.memory_space<vmem_shared>>) target(%dma_start3A_196 : memref<640x48xf32, #tpu.memory_space<hbm>>) target_semaphore(%run_scoped3A : memref<!tpu.dma_semaphore, #tpu.memory_space<semaphore_mem>>)
      %dma_wait3A_199 = arith.constant 0 : i32
      %dma_wait3A_200 = tpu.memref_slice %arg5[%arg0, %mul3A_193, %dma_wait3A_199] : memref<2x10240x48xf32, #tpu.memory_space<hbm>> -> memref<1x640x48xf32, #tpu.memory_space<hbm>>
      %dma_wait3A_201 = tpu.memref_squeeze %dma_wait3A_200 : memref<1x640x48xf32, #tpu.memory_space<hbm>> -> memref<640x48xf32, #tpu.memory_space<hbm>>
      %dma_wait3A_202 = arith.constant 0 : i32
      %dma_wait3A_203 = tpu.memref_slice %arg9[%mul3A_191, %dma_wait3A_202] : memref<10240x48xf32, #tpu.memory_space<vmem_shared>> -> memref<640x48xf32, #tpu.memory_space<vmem_shared>>
      tpu.wait_dma2 semaphore(%run_scoped3A : memref<!tpu.dma_semaphore, #tpu.memory_space<semaphore_mem>>) src(%dma_wait3A_203 : memref<640x48xf32, #tpu.memory_space<vmem_shared>>) dst(%dma_wait3A_201 : memref<640x48xf32, #tpu.memory_space<hbm>>)
      tpu.yield
    }) : () -> ()
    return
  }
}

module attributes {stable_mosaic.version = 14 : i64} {
  func.func @_payload_body(%arg0: i32, %arg1: memref<2000x128xf32, #tpu.memory_space<vmem>>, %arg2: memref<2000x128xf32, #tpu.memory_space<vmem>>, %arg3: memref<32x256xf32, #tpu.memory_space<vmem>>, %arg4: memref<1x32xf32, #tpu.memory_space<vmem>>, %arg5: memref<128x128xf32, #tpu.memory_space<vmem>>, %arg6: memref<1000x128xi32, #tpu.memory_space<vmem>>) attributes {dimension_semantics = [#tpu.dimension_semantics<arbitrary>], iteration_bounds = array<i64: 160>, scalar_prefetch = 0 : i64, scratch_operands = 0 : i64, tpu.core_type = #tpu.core_type<tc>, window_params = [{transform_indices = @transform_0, window_bounds = array<i64: 2000, 128>}, {transform_indices = @transform_1, window_bounds = array<i64: 2000, 128>}, {pipeline_mode = #tpu.pipeline_mode<synchronous>, transform_indices = @transform_2, window_bounds = array<i64: 32, 256>}, {pipeline_mode = #tpu.pipeline_mode<synchronous>, transform_indices = @transform_3, window_bounds = array<i64: 1, 32>}, {pipeline_mode = #tpu.pipeline_mode<synchronous>, transform_indices = @transform_4, window_bounds = array<i64: 128, 128>}, {transform_indices = @transform_5, window_bounds = array<i64: 1000, 128>}]} {
    %get3A = arith.constant 0 : index
    %get3A_0 = arith.constant 0 : index
    %get3A_1 = vector.load %arg1[%get3A, %get3A_0] : memref<2000x128xf32, #tpu.memory_space<vmem>>, vector<2000x128xf32>
    %get3A_2 = arith.constant 0 : index
    %get3A_3 = arith.constant 0 : index
    %get3A_4 = vector.load %arg2[%get3A_2, %get3A_3] : memref<2000x128xf32, #tpu.memory_space<vmem>>, vector<2000x128xf32>
    %get3A_5 = arith.constant 0 : index
    %get3A_6 = arith.constant 0 : index
    %get3A_7 = vector.load %arg4[%get3A_5, %get3A_6] : memref<1x32xf32, #tpu.memory_space<vmem>>, vector<1x32xf32>
    %get3A_8 = arith.constant 0 : index
    %get3A_9 = arith.constant 0 : index
    %get3A_10 = vector.load %arg3[%get3A_8, %get3A_9] : memref<32x256xf32, #tpu.memory_space<vmem>>, vector<32x256xf32>
    %dot_general3A = arith.constant dense<0.000000e+00> : vector<1x256xf32>
    %dot_general3A_11 = tpu.matmul %get3A_7, %get3A_10, %dot_general3A {dimension_numbers = #tpu.dot_dimension_numbers<[1], [0], [0], [1], [0, 0, 1, 1], [], []>, transpose_lhs_hint = false} : vector<1x32xf32>, vector<32x256xf32>, vector<1x256xf32> -> vector<1x256xf32>
    %slice3A = vector.extract_strided_slice %dot_general3A_11 {offsets = [0, 0], sizes = [1, 128], strides = [1, 1]} : vector<1x256xf32> to vector<1x128xf32>
    %slice3A_12 = vector.extract_strided_slice %dot_general3A_11 {offsets = [0, 128], sizes = [1, 128], strides = [1, 1]} : vector<1x256xf32> to vector<1x128xf32>
    %get3A_13 = arith.constant 0 : index
    %get3A_14 = arith.constant 0 : index
    %get3A_15 = vector.load %arg5[%get3A_13, %get3A_14] : memref<128x128xf32, #tpu.memory_space<vmem>>, vector<128x128xf32>
    %dot_general3A_16 = arith.constant dense<0.000000e+00> : vector<2000x128xf32>
    %dot_general3A_17 = tpu.matmul %get3A_1, %get3A_15, %dot_general3A_16 {dimension_numbers = #tpu.dot_dimension_numbers<[1], [1], [0], [0], [0, 0, 1, 0], [], []>, transpose_lhs_hint = false} : vector<2000x128xf32>, vector<128x128xf32>, vector<2000x128xf32> -> vector<2000x128xf32>
    %dot_general3A_18 = arith.constant dense<0.000000e+00> : vector<2000x1xf32>
    %dot_general3A_19 = tpu.matmul %get3A_1, %slice3A, %dot_general3A_18 {dimension_numbers = #tpu.dot_dimension_numbers<[1], [1], [0], [0], [0, 0, 1, 0], [], []>, transpose_lhs_hint = false} : vector<2000x128xf32>, vector<1x128xf32>, vector<2000x1xf32> -> vector<2000x1xf32>
    %dot_general3A_20 = arith.constant dense<0.000000e+00> : vector<2000x1xf32>
    %dot_general3A_21 = tpu.matmul %get3A_4, %slice3A_12, %dot_general3A_20 {dimension_numbers = #tpu.dot_dimension_numbers<[1], [1], [0], [0], [0, 0, 1, 0], [], []>, transpose_lhs_hint = false} : vector<2000x128xf32>, vector<1x128xf32>, vector<2000x1xf32> -> vector<2000x1xf32>
    %add3A = arith.addf %dot_general3A_19, %dot_general3A_21 : vector<2000x1xf32>
    %mul3A = arith.constant 2.000000e-01 : f32
    %mul3A_22 = vector.broadcast %mul3A : f32 to vector<2000x1xf32>
    %mul3A_23 = arith.mulf %mul3A_22, %add3A : vector<2000x1xf32>
    %max3A = arith.maximumf %add3A, %mul3A_23 : vector<2000x1xf32>
    %neg3A = arith.constant 0.000000e+00 : f32
    %neg3A_24 = vector.broadcast %neg3A : f32 to vector<2000x1xf32>
    %neg3A_25 = arith.subf %neg3A_24, %max3A : vector<2000x1xf32>
    %exp3A = math.exp %neg3A_25 : vector<2000x1xf32>
    %iota3A = tpu.iota {dimensions = array<i32: 1>} : vector<2000x128xi32>
    %eq3A = arith.constant 32 : i32
    %eq3A_26 = vector.broadcast %eq3A : i32 to vector<2000x128xi32>
    %eq3A_27 = arith.cmpi eq, %iota3A, %eq3A_26 : vector<2000x128xi32>
    %mul3A_28 = vector.broadcast %exp3A : vector<2000x1xf32> to vector<2000x128xf32>
    %mul3A_29 = arith.mulf %dot_general3A_17, %mul3A_28 : vector<2000x128xf32>
    %broadcast_in_dim3A = vector.shape_cast %exp3A : vector<2000x1xf32> to vector<2000x1xf32>
    %broadcast_in_dim3A_30 = vector.broadcast %broadcast_in_dim3A : vector<2000x1xf32> to vector<2000x128xf32>
    %select_n3A = arith.select %eq3A_27, %broadcast_in_dim3A_30, %mul3A_29 : vector<2000x128xi1>, vector<2000x128xf32>
    %convert_element_type3A = arith.truncf %select_n3A : vector<2000x128xf32> to vector<2000x128xbf16>
    %bitcast3A = tpu.bitcast %convert_element_type3A : vector<2000x128xbf16> -> vector<1000x128xi32>
    %swap3A = arith.constant 0 : index
    %swap3A_31 = arith.constant 0 : index
    %swap3A_32 = vector.load %arg6[%swap3A, %swap3A_31] : memref<1000x128xi32, #tpu.memory_space<vmem>>, vector<1000x128xi32>
    tpu.vector_store %arg6[%swap3A, %swap3A_31], %bitcast3A {strides = array<i32>} : memref<1000x128xi32, #tpu.memory_space<vmem>>, vector<1000x128xi32>,
    return
  }
  func.func @transform_0(%arg0: i32) -> (i32, i32) {
    %c0_i32 = arith.constant 0 : i32
    %c0_i32_0 = arith.constant 0 : i32
    return %arg0, %c0_i32 : i32, i32
  }
  func.func @transform_1(%arg0: i32) -> (i32, i32) {
    %c0_i32 = arith.constant 0 : i32
    %c0_i32_0 = arith.constant 0 : i32
    return %arg0, %c0_i32 : i32, i32
  }
  func.func @transform_2(%arg0: i32) -> (i32, i32) {
    %c0_i32 = arith.constant 0 : i32
    %c0_i32_0 = arith.constant 0 : i32
    %c0_i32_1 = arith.constant 0 : i32
    return %c0_i32, %c0_i32_0 : i32, i32
  }
  func.func @transform_3(%arg0: i32) -> (i32, i32) {
    %c0_i32 = arith.constant 0 : i32
    %c0_i32_0 = arith.constant 0 : i32
    %c0_i32_1 = arith.constant 0 : i32
    return %c0_i32, %c0_i32_0 : i32, i32
  }
  func.func @transform_4(%arg0: i32) -> (i32, i32) {
    %c0_i32 = arith.constant 0 : i32
    %c0_i32_0 = arith.constant 0 : i32
    %c0_i32_1 = arith.constant 0 : i32
    return %c0_i32, %c0_i32_0 : i32, i32
  }
  func.func @transform_5(%arg0: i32) -> (i32, i32) {
    %c0_i32 = arith.constant 0 : i32
    %c0_i32_0 = arith.constant 0 : i32
    return %arg0, %c0_i32 : i32, i32
  }
}

module attributes {stable_mosaic.version = 14 : i64} {
  func.func @_finalize_body(%arg0: i32, %arg1: memref<2x2048x48xf32, #tpu.memory_space<vmem>>, %arg2: memref<2048x32xf32, #tpu.memory_space<vmem>>) attributes {dimension_semantics = [#tpu.dimension_semantics<arbitrary>], iteration_bounds = array<i64: 5>, scalar_prefetch = 0 : i64, scratch_operands = 0 : i64, tpu.core_type = #tpu.core_type<tc>, window_params = [{transform_indices = @transform_0, window_bounds = array<i64: 2, 2048, 48>}, {transform_indices = @transform_1, window_bounds = array<i64: 2048, 32>}]} {
    %get3A = arith.constant 0 : index
    %get3A_0 = arith.constant 0 : index
    %get3A_1 = arith.constant 0 : index
    %get3A_2 = vector.load %arg1[%get3A, %get3A_0, %get3A_1] : memref<2x2048x48xf32, #tpu.memory_space<vmem>>, vector<1x2048x48xf32>
    %get3A_3 = vector.shape_cast %get3A_2 : vector<1x2048x48xf32> to vector<2048x48xf32>
    %get3A_4 = arith.constant 1 : index
    %get3A_5 = arith.constant 0 : index
    %get3A_6 = arith.constant 0 : index
    %get3A_7 = vector.load %arg1[%get3A_4, %get3A_5, %get3A_6] : memref<2x2048x48xf32, #tpu.memory_space<vmem>>, vector<1x2048x48xf32>
    %get3A_8 = vector.shape_cast %get3A_7 : vector<1x2048x48xf32> to vector<2048x48xf32>
    %add3A = arith.addf %get3A_3, %get3A_8 : vector<2048x48xf32>
    %slice3A = vector.extract_strided_slice %add3A {offsets = [0, 0], sizes = [2048, 32], strides = [1, 1]} : vector<2048x48xf32> to vector<2048x32xf32>
    %slice3A_9 = vector.extract_strided_slice %add3A {offsets = [0, 32], sizes = [2048, 1], strides = [1, 1]} : vector<2048x48xf32> to vector<2048x1xf32>
    %eq3A = arith.constant 0.000000e+00 : f32
    %eq3A_10 = vector.broadcast %eq3A : f32 to vector<2048x1xf32>
    %eq3A_11 = arith.cmpf oeq, %slice3A_9, %eq3A_10 : vector<2048x1xf32>
    %jit3A = arith.constant 9.99999996E-13 : f32
    %broadcast_in_dim3A = vector.broadcast %jit3A : f32 to vector<2048x1xf32>
    %select_n3A = arith.select %eq3A_11, %broadcast_in_dim3A, %slice3A_9 : vector<2048x1xi1>, vector<2048x1xf32>
    %div3A = vector.broadcast %select_n3A : vector<2048x1xf32> to vector<2048x32xf32>
    %div3A_12 = arith.divf %slice3A, %div3A : vector<2048x32xf32>
    %gt3A = arith.constant 0.000000e+00 : f32
    %gt3A_13 = vector.broadcast %gt3A : f32 to vector<2048x32xf32>
    %gt3A_14 = arith.cmpf ogt, %div3A_12, %gt3A_13 : vector<2048x32xf32>
    %exp3A = math.exp %div3A_12 : vector<2048x32xf32>
    %sub3A = arith.constant 1.000000e+00 : f32
    %sub3A_15 = vector.broadcast %sub3A : f32 to vector<2048x32xf32>
    %sub3A_16 = arith.subf %exp3A, %sub3A_15 : vector<2048x32xf32>
    %select_n3A_17 = arith.select %gt3A_14, %div3A_12, %sub3A_16 : vector<2048x32xi1>, vector<2048x32xf32>
    %swap3A = arith.constant 0 : index
    %swap3A_18 = arith.constant 0 : index
    %swap3A_19 = vector.load %arg2[%swap3A, %swap3A_18] : memref<2048x32xf32, #tpu.memory_space<vmem>>, vector<2048x32xf32>
    tpu.vector_store %arg2[%swap3A, %swap3A_18], %select_n3A_17 {strides = array<i32>} : memref<2048x32xf32, #tpu.memory_space<vmem>>, vector<2048x32xf32>,
    return
  }
  func.func @transform_0(%arg0: i32) -> (i32, i32, i32) {
    %c0_i32 = arith.constant 0 : i32
    %c0_i32_0 = arith.constant 0 : i32
    %c0_i32_1 = arith.constant 0 : i32
    return %c0_i32, %arg0, %c0_i32_0 : i32, i32, i32
  }
  func.func @transform_1(%arg0: i32) -> (i32, i32) {
    %c0_i32 = arith.constant 0 : i32
    %c0_i32_0 = arith.constant 0 : i32
    return %arg0, %c0_i32 : i32, i32
  }
}

</mosaic_0001>

<sc_bundles>
// kernel: kernel.5.cloned.1.call-start
scs
__scs_entry_jumppad:
0x0: {  	(pc) =	sbr.rel $0x88, $3  }
0x1: {  	(tag) =	ssettag $0x0;
	lr =	simm.s32 $0x1  }
0x2: {  	[smem:$0x3F9B] =	sst lr;
	_ =	strace $0xD0000000  }
0x3: {  	_ = 	snop  }
0x4: {  	_ = 	snop  }
0x5: {  	_ = 	snop  }
0x6: {  	_ = 	snop  }
0x7: {  	_ = 	snop  }
__scs_overlays_trampoline_lowered:
0x8: {  	[smem:$0x3FAA] =	sst s0  }
0x9: {  	[smem:$0x3FAB] =	sst s1  }
0xa: {  	[smem:$0x3FAC] =	sst s2  }
0xb: {  	[smem:$0x3FAD] =	sst s3  }
0xc: {  	[smem:$0x3FAE] =	sst s4  }
0xd: {  	[smem:$0x3FAF] =	sst s5  }
0xe: {  	[smem:$0x3FB0] =	sst s6  }
0xf: {  	[smem:$0x3FB1] =	sst s7  }
0x10: {  	[smem:$0x3FB2] =	sst s8  }
0x11: {  	[smem:$0x3FB3] =	sst s9;
	s0 =	simm.s32 @!p0 $0x0  }
0x12: {  	s1 =	sld [smem:$0x3F99];
	s0 =	simm.s32 @p0 $0x1  }
0x13: {  	[smem:$0x3FB4] =	sst s0;
	s0 =	simm.s32 @!p1 $0x0  }
0x14: {  	s2 =	sld [smem:$0x3F98];
	s0 =	simm.s32 @p1 $0x1  }
0x15: {  	[smem:$0x3FB5] =	sst s0;
	s0 =	simm.s32 @!p2 $0x0  }
0x16: {  	s3 =	sld [smem:$0x3FDB];
	s0 =	simm.s32 @p2 $0x1  }
0x17: {  	s4 =	simm.s32 $0x1BF5;
	[smem:$0x3FB7] =	sst s0  }
0x18: {  	s0 =	sld [smem:$0x3F9A];
	_ =	swait.ge [sflag:s4], $0x0  }
0x19: {  	s7 =	sld [smem:$0x3F9B]  }
0x1a: {  	s8 =	sadd.s32 $0xFFFFE003, lr  }
0x1b: {  	s9 =	sadd.s32 $0xFFFFFEF7, lr;
	s5 =	simm.s32 $0xFFFFFFFF;
	p2 =	slt.u32 s8, $0xFFFFF086  }
0x1c: {  	p1 =	slt.u32 s9, $0xF7A;
	s5 =	simm.s32 @!p2 $0x0  }
0x1d: {  	s5 =	simm.s32 @p1 $0x1;
	p0 =	seq.s32 s7, s2  }
0x1e: {  	s7 =	smul.u32 @!p0 $0xF7A, s2;
	p2 =	seq.s32 @!p0 s5, $0x0  }
0x1f: {  	s9 =	smul.u32 $0xF7A, s1;
	s8 =	simm.s32 @!p0 $0x1BF5;
	p2 =	por !p2, p0  }
0x20: {  	[sflag:s8] =	ssyncset.s32 @!p0 $0xFFFFF086;
	s6 =	sadd.s32 @!p0 s3, s7;
	s7 =	simm.s32 @!p0 $0x108  }
0x21: {  	s3 =	sadd.s32 s3, s9;
	s6 =	sadd.s32 @!p0 $0x88, s6;
	s7 =	simm.s32 @p2 $0x1082  }
0x22: {  	[simem:s7], [sflag:s8] =	dma.local @!p0 [hbm:s6], $0xF7A  }
0x23: {  	s9 =	sor.u32 $0xD0000000, s2;
	s6 =	simm.s32 $0x108;
	_ =	swait.ge @!p0 [sflag:s8], $0x0  }
0x24: {  	s3 =	sadd.s32 $0x88, s3;
	s6 =	simm.s32 @!p1 $0x1082;
	[sflag:s4] =	ssyncset.s32 $0xFFFFF086  }
0x25: {  	[simem:s6], [sflag:s4] =	dma.local [hbm:s3], $0xF7A  }
0x26: {  	[smem:$0x3F9B] =	sst s1;
	(tag) =	ssettag s2;
	_ =	strace s9  }
0x27: {  	s1 =	sld [smem:$0x3FAB]  }
0x28: {  	s2 =	sld [smem:$0x3FAC]  }
0x29: {  	s4 =	sld [smem:$0x3FAE]  }
0x2a: {  	p0 =	seq.s32 s5, $0x0;
	s5 =	sld [smem:$0x3FAF]  }
0x2b: {  	s6 =	sld [smem:$0x3FB0]  }
0x2c: {  	s7 =	sld [smem:$0x3FB1]  }
0x2d: {  	s3 =	simm.s32 $0x108;
	s8 =	sld [smem:$0x3FB2]  }
0x2e: {  	s3 =	simm.s32 @!p0 $0x1082;
	s9 =	sld [smem:$0x3FB3]  }
0x2f: {  	lr =	sadd.s32 s0, s3;
	s0 =	sld [smem:$0x3FAA]  }
0x30: {  	s3 =	sld [smem:$0x3FAD]  }
0x31: {  	[smem:$0x3FB6] =	sst s10  }
0x32: {  	s10 =	sld [smem:$0x3FB4];
	_ =	sdelay $0x3  }
0x33: {  	p0 =	seq.s32 s10, $0x1;
	s10 =	sld [smem:$0x3FB6];
	_ =	sdelay $0x3  }
0x34: {  	[smem:$0x3FB6] =	sst s10  }
0x35: {  	s10 =	sld [smem:$0x3FB5];
	_ =	sdelay $0x3  }
0x36: {  	p1 =	seq.s32 s10, $0x1;
	s10 =	sld [smem:$0x3FB6];
	_ =	sdelay $0x3  }
0x37: {  	[smem:$0x3FB6] =	sst s10  }
0x38: {  	s10 =	sld [smem:$0x3FB7]  }
0x39: {  	_ = 	snop;
	(pc) =	sbr.ind lr, $3  }
0x3a: {  	_ = 	snop  }
0x3b: {  	_ = 	snop  }
0x3c: {  	p2 =	seq.s32 s10, $0x1;
	s10 =	sld [smem:$0x3FB6]  }
0x3d: {  	_ =	shalt  }
0x3e: {  	_ =	shalt  }
0x3f: {  	_ =	shalt  }
0x40: {  	_ =	shalt  }
0x41: {  	_ =	shalt  }
0x42: {  	_ =	shalt  }
0x43: {  	_ =	shalt  }
0x44: {  	_ =	shalt  }
0x45: {  	_ =	shalt  }
0x46: {  	_ =	shalt  }
0x47: {  	_ =	shalt  }
0x48: {  	_ =	shalt  }
0x49: {  	_ =	shalt  }
0x4a: {  	_ =	shalt  }
0x4b: {  	_ =	shalt  }
0x4c: {  	_ =	shalt  }
0x4d: {  	_ =	shalt  }
0x4e: {  	_ =	shalt  }
0x4f: {  	_ =	shalt  }
0x50: {  	_ =	shalt  }
0x51: {  	_ =	shalt  }
0x52: {  	_ =	shalt  }
0x53: {  	_ =	shalt  }
0x54: {  	_ =	shalt  }
0x55: {  	_ =	shalt  }
0x56: {  	_ =	shalt  }
0x57: {  	_ =	shalt  }
0x58: {  	_ =	shalt  }
0x59: {  	_ =	shalt  }
0x5a: {  	_ =	shalt  }
0x5b: {  	_ =	shalt  }
0x5c: {  	_ =	shalt  }
0x5d: {  	_ =	shalt  }
0x5e: {  	_ =	shalt  }
0x5f: {  	_ =	shalt  }
0x60: {  	_ =	shalt  }
0x61: {  	_ =	shalt  }
0x62: {  	_ =	shalt  }
0x63: {  	_ =	shalt  }
0x64: {  	_ =	shalt  }
0x65: {  	_ =	shalt  }
0x66: {  	_ =	shalt  }
0x67: {  	_ =	shalt  }
0x68: {  	_ =	shalt  }
0x69: {  	_ =	shalt  }
0x6a: {  	_ =	shalt  }
0x6b: {  	_ =	shalt  }
0x6c: {  	_ =	shalt  }
0x6d: {  	_ =	shalt  }
0x6e: {  	_ =	shalt  }
0x6f: {  	_ =	shalt  }
0x70: {  	_ =	shalt  }
0x71: {  	_ =	shalt  }
0x72: {  	_ =	shalt  }
0x73: {  	_ =	shalt  }
0x74: {  	_ =	shalt  }
0x75: {  	_ =	shalt  }
0x76: {  	_ =	shalt  }
0x77: {  	_ =	shalt  }
0x78: {  	_ =	shalt  }
0x79: {  	_ =	shalt  }
0x7a: {  	_ =	shalt  }
0x7b: {  	_ =	shalt  }
0x7c: {  	_ =	shalt  }
0x7d: {  	_ =	shalt  }
0x7e: {  	_ =	shalt  }
0x7f: {  	_ =	shalt  }
0x80: {  	_ =	shalt  }
0x81: {  	_ =	shalt  }
0x82: {  	_ =	shalt  }
0x83: {  	_ =	shalt  }
0x84: {  	_ =	shalt  }
0x85: {  	_ =	shalt  }
0x86: {  	_ =	shalt  }
0x87: {  	_ =	shalt  }
.Lfunc_end0:
.L_simem_size_0:
called_computation_lowered:
.L_overlay_start_0:
0x88: {  	s2 =	sld [smem:$0x3FD9]  }
0x89: {  	s3 =	sld [smem:$0x3FFE];
	_ =	sdelay $0x1  }
0x8a: {  	s1 =	srdreg.scid  }
0x8b: {  	s0 =	sand.u32 $0x1, s1  }
0x8c: {  	s16 =	sshll.u32 s0, $0xA;
	s2 =	sadd.s32 s3, s2  }
0x8d: {  	s2 =	sadd.s32 s2, s16  }
0x8e: {  	[smem:$0x3FC2] =	sst s2  }
0x8f: {  	_ = 	snop  }
0x90: {  	(tm) =	ssettm $0x1  }
0x91: {  	s17 =	sld [smem:$0x3FFB];
	_ =	sdelay $0x3  }
0x92: {  	_ =	strace s17  }
0x93: {  	s2 =	sld [smem:$0x3FFC];
	_ =	sdelay $0x3  }
0x94: {  	_ =	strace s2  }
0x95: {  	s2 =	sld [smem:$0x3FFD];
	_ =	sdelay $0x3  }
0x96: {  	_ =	strace s2  }
0x97: {  	_ =	strace $0x8FFFFFFF  }
0x98: {  	s18 =	sld [smem:$0x3FDB];
	_ =	sdelay $0x1  }
0x99: {  	s19 =	simm.s32 $_scs_section_size  }
0x9a: {  	s4 =	simm.s32 $_size__tile_overlayer_lowered;
	s5 =	simm.s32 $_tile_overlayer_lowered  }
0x9b: {  	s22 =	simm.s32 $0x1BFF;
	s21 =	sshll.u32 s5, $0x1;
	s2 =	sadd.s32 s19, s18  }
0x9c: {  	s6 =	simm.s32 $0x0;
	s20 =	sshll.u32 s4, $0x1;
	s4 =	sadd.s32 s21, s2  }
0x9d: {  	[timem:s6], [sflag:s22] =	dma.local [hbm:s4], s20  }
0x9e: {  	_ =	swait.ge [sflag:s22], s20  }
0x9f: {  	s3 =	ssub.s32 $0x0, s20;
	[sflag:s22] =	ssyncset.done $0x0  }
0xa0: {  	[sflag:s22] =	ssyncadd.s32 s3;
	_ =	sdelay $0x1  }
0xa1: {  	s23 =	simm.s32 $0x1B8B  }
0xa2: {  	_ =	swait.ge [sflag:s23], $0x1  }
0xa3: {  	[sflag:s23] =	ssyncset.done $0x0  }
0xa4: {  	s25 =	simm.s32 $0x1B8E;
	s24 =	sld [smem:$0x3FFE];
	[sflag:s23] =	ssyncadd.s32 $0xFFFFFFFF  }
0xa5: {  	s26 =	simm.s32 $execute0_lowered;
	[smem:$0x3FD2] =	sst s25  }
0xa6: {  	s4 =	sshll.u32 s26, $0x1;
	_ =	strace $0x80000046;
	[dreg:$0x1] =	wrdreg $0xFFFFFFFF  }
0xa7: {  	s28 =	simm.s32 $_size_execute0_lowered;
	s2 =	sadd.s32 s2, s4;
	[dreg:$0x0] =	wrdreg $0x0  }
0xa8: {  	s4 =	sshll.u32 s28, $0x1;
	[dreg:$0x2] =	wrdreg s2  }
0xa9: {  	[dreg:$0x3] =	wrdreg s4  }
0xaa: {  	[dreg:$0x4] =	wrdreg $0xC0  }
0xab: {  	_ =	task [dreg:s6], $0x5FFFF  }
0xac: {  	[dreg:$0x1] =	wrdreg $0xFFFFFFFF  }
0xad: {  	[dreg:$0x0] =	wrdreg $0x60  }
0xae: {  	[dreg:$0x2] =	wrdreg s24  }
0xaf: {  	[dreg:$0x3] =	wrdreg $0x164800  }
0xb0: {  	[dreg:$0x4] =	wrdreg $0x9  }
0xb1: {  	_ =	task.clear_ibuf [dreg:s6], $0x5FFFF;
	_ =	strace $0x90000046  }
0xb2: {  	s29 =	simm.s32 $0x9;
	_ =	strace $0x80000048  }
0xb3: {  	_ =	swait.ge [sflag:s29], $0x1  }
0xb4: {  	[sflag:s29] =	ssyncadd.s32 $0xFFFFFFFF  }
0xb5: {  	_ =	strace $0x90000048  }
0xb6: {  	_ =	sfence  }
0xb7: {  	s30 =	sld [smem:$0x0];
	_ =	sdelay $0x2  }
0xb8: {  	s31 =	sshll.u32 s1, $0xD;
	s1 =	sshrl.u32 s1, $0x2  }
0xb9: {  	s3 =	sand.u32 $0x4000, s31;
	s1 =	sadd.s32 s1, s30  }
0xba: {  	s0 =	sor.u32 s3, s0;
	s1 =	sshll.u32 s1, $0x11  }
0xbb: {  	s0 =	sor.u32 s1, s0  }
0xbc: {  	s0 =	sadd.s32 $0x8F2B, s0  }
0xbd: {  	[sflag:s0] =	ssyncadd.remote.s32 $0x1  }
0xbe: {  	_ =	sfence.sel $0xFFFF  }
0xbf: {  	[dreg:$0x0] =	wrdreg $0xFFFFFFFF;
	(pc) =	sbr.abs _section_cstart, $3  }
0xc0: {  	[dreg:$0x1] =	wrdreg $0xFFFFFFFF  }
0xc1: {  	_ =	task.clear_ibuf [dreg:s6], $0x2FFFF;
	_ =	strace $0x9FFFFFFF  }
0xc2: {  	(tm) =	ssettm $0x7FFFFFFF  }
0xc3: {  	_ =	shalt  }
tec
execute0_lowered:
.L_overlay_start_1:
0x0: {  	(tag) =	ssettag $0x1  }
0x1: {  	s0 =	rddreg [dreg:$0x0]  }
0x2: {  	s2 =	rddreg [dreg:$0x1];
	s3 =	simm.s32 $0x0  }
0x3: {  	s13 =	stileid.u32;
	s5 =	srdreg.scid;
	s17 =	simm.s32 $0x4  }
0x4: {  	s19 =	simm.s32 $0x6400;
	s20 =	simm.s32 $0x15FA0;
	s21 =	simm.s32 $0x1  }
0x5: {  	s22 =	simm.s32 $0x2;
	s23 =	simm.s32 $0x64;
	s6 =	sand.u32 $0x1, s5  }
0x6: {  	s24 =	simm.s32 $0x3;
	s1 =	smul.u32 $0x7800, s13;
	s9 =	sshll.u32 s6, $0x4  }
0x7: {  	s25 =	simm.s32 $0x0;
	s8 =	smul.u32 $0x78000, s6;
	s10 =	sor.u32 s13, s9  }
0x8: {  	[smem:$0x7FF] =	sst s3;
	s26 =	ssub.s32 $0x2, s6;
	s6 =	smul.u32 $0x1388, s10  }
0x9: {  	s4 =	sadd.s32 $0xAE00, s0;
	s5 =	sadd.s32 $0xA00, s0;
	s12 =	smul.u32 $0x13880, s10  }
0xa: {  	s29 =	sshll.u32 s13, $0x6;
	_ =	strace $0x80000047;
	s28 =	smul.u32 $0x9C400, s10  }
0xb: {  	s7 =	sshrl.u32 s1, $0x3;
	s11 =	sshrl.u32 s26, $0x1;
	s30 =	smul.u32 $0x28A0, s10  }
0xc: {  	s7 =	sadd.s32 s7, s0;
	s8 =	sadd.s32 s1, s8;
	s31 =	smul.u32 $0x514, s10  }
0xd: {  	s15 =	ssub.s32 s26, s11;
	s1 =	sadd.s32 s1, s2;
	s10 =	smul.u32 $0x19, s10  }
0xe: {  	s8 =	sshrl.u32 s8, $0x3;
	s7 =	sadd.s32 $0x27BE00, s7;
	s15 =	smax.u32 s15, $0x1  }
0xf: {  	s16 =	sshrl.u32 s1, $0x3;
	s0 =	sadd.s32 s8, s0;
	s8 =	sor.u32 $0x1C04, s29  }
0x10: {  	s9 =	sadd.s32 s4, s12;
	s11 =	sshrl.u32 s28, $0x3;
	s13 =	sshrl.u32 s30, $0x3  }
0x11: {  	s14 =	sadd.s32 s4, s11;
	s13 =	sadd.s32 s5, s13;
	s11 =	sadd.s32 s5, s31  }
0x12: {  	s12 =	sadd.s32 $0xC80, s14;
	s13 =	sadd.s32 $0x34, s13;
	s14 =	sadd.s32 $0x28AE00, s0  }
.LBB2_1:
0x13: {  	[spmem:s16], [sflag:s8] =	dma.local [hbm:s7], $0xF00  }
0x14: {  	_ =	swait.ge [sflag:s17], $0xF00  }
0x15: {  	[sflag:s17] =	ssyncset.done $0x0  }
0x16: {  	[sflag:s17] =	ssyncadd.s32 $0xFFFFF100  }
0x17: {  	[tilespmem:s3], [sflag:$0x1] =	stream.linear.gather [hbm4b:s9+s3], $0x6400, $0x38;
	[tilespmem:$0x1DC80] =	vst v63  }
0x18: {  	s0 =	simm.s32 $0x15E00  }
0x19: {  	[tilespmem:s0], [sflag:$0x2] =	stream.linear.gather [hbm4b:s11+s3], $0x1A0, $0x38;
	[tilespmem:$0x1DC80] =	vst v63  }
0x1a: {  	_ = 	snop  }
0x1b: {  	[tilespmem:s19], [sflag:$0x1] =	stream.linear.gather [hbm4b:s12+s3], $0x6400, $0x38;
	[tilespmem:$0x1DC80] =	vst v63  }
0x1c: {  	_ = 	snop  }
0x1d: {  	[tilespmem:s20], [sflag:$0x2] =	stream.linear.gather [hbm4b:s13+s3], $0x1A0, $0x38;
	[tilespmem:$0x1DC80] =	vst v63  }
0x1e: {  	p0 =	por $0x0, $0x0;
	s26 =	simm.s32 $0x0;
	[bflag:$0x0] =	sbarrier.arrive $0xFFFF  }
.LBB2_2:
0x1f: {  	_ =	swait.ge [sflag:s21], $0x6400  }
0x20: {  	[sflag:s21] =	ssyncset.done $0x0  }
0x21: {  	[sflag:s21] =	ssyncadd.s32 $0xFFFF9C00  }
0x22: {  	_ =	swait.ge [sflag:s22], $0x1A0  }
0x23: {  	p1 =	slt.u32 s26, $0x2;
	[sflag:s22] =	ssyncset.done $0x0  }
0x24: {  	s0 =	simm.s32 @!p1 $0x3;
	[sflag:s22] =	ssyncadd.s32 $0xFFFFFE60  }
0x25: {  	_ =	swait.ge @!p1 [sflag:s0], $0x12C0  }
0x26: {  	s1 =	simm.s32 $0x1;
	[sflag:s0] =	ssyncset.done @!p1 $0x0  }
0x27: {  	s1 =	simm.s32 @!p0 $0x0;
	[sflag:s0] =	ssyncadd.s32 @!p1 $0xFFFFED40  }
0x28: {  	s28 =	smul.u32 $0x19000, s1;
	_ =	swait.ge @!p1 [sflag:s0], $0x12C0  }
0x29: {  	[sflag:s0] =	ssyncset.done @!p1 $0x0  }
0x2a: {  	s28 =	sshrl.u32 s28, $0x2;
	[sflag:s0] =	ssyncadd.s32 @!p1 $0xFFFFED40  }
0x2b: {  	s28 =	sor.u32 $0xA0, s28;
	_ =	swait.ge @!p1 [sflag:s0], $0x12C0  }
0x2c: {  	v0 =	vmov s28;
	[sflag:s0] =	ssyncset.done @!p1 $0x0  }
0x2d: {  	[sflag:s0] =	ssyncadd.s32 @!p1 $0xFFFFED40  }
0x2e: {  	_ =	swait.ge @!p1 [sflag:s0], $0x12C0  }
0x2f: {  	[sflag:s0] =	ssyncset.done @!p1 $0x0  }
0x30: {  	s18 =	simm.s32 $0x0;
	[sflag:s0] =	ssyncadd.s32 @!p1 $0xFFFFED40  }
0x31: {  	v1 =	vld.idx.msk [tilespmem:v0+s18+$0xFFFFFF60 ss:$0x1], $0xffff;
	_ =	sdelay $0x1  }
0x32: {  	s1 =	smul.u32 $0x12C00, s1;
	_ =	sdelay $0x1  }
0x33: {  	s1 =	sshrl.u32 s1, $0x2  }
0x34: {  	s31 =	sadd.s32 $0xC860, s1;
	v2 =	vshll.u32 v1, $0x10  }
0x35: {  	v1 =	vand.u32 $0xFFFF0000, v1;
	[tilespmem:s31+$0xFFFFFFA0] =	vst v2  }
0x36: {  	[tilespmem:s31+$0xFFFFFFD0] =	vst v1  }
0x37: {  	v1 =	vld.idx.msk [tilespmem:v0+s18+$0xFFFFFF70 ss:$0x1], $0xffff;
	_ =	sdelay $0x4  }
0x38: {  	v2 =	vshll.u32 v1, $0x10  }
0x39: {  	v1 =	vand.u32 $0xFFFF0000, v1;
	[tilespmem:s31+$0xFFFFFFB0] =	vst v2  }
0x3a: {  	[tilespmem:s31+$0xFFFFFFE0] =	vst v1  }
0x3b: {  	v1 =	vld.idx.msk [tilespmem:v0+s18+$0xFFFFFF80 ss:$0x1], $0xffff;
	_ =	sdelay $0x4  }
0x3c: {  	v2 =	vshll.u32 v1, $0x10  }
0x3d: {  	v1 =	vand.u32 $0xFFFF0000, v1;
	[tilespmem:s31+$0xFFFFFFC0] =	vst v2  }
0x3e: {  	[tilespmem:s31+$0xFFFFFFF0] =	vst v1  }
0x3f: {  	v1 =	vld.idx.msk [tilespmem:v0+s18+$0xFFFFFFE0 ss:$0x1], $0xffff;
	_ =	sdelay $0x4  }
0x40: {  	v2 =	vshll.u32 v1, $0x10  }
0x41: {  	v1 =	vand.u32 $0xFFFF0000, v1;
	[tilespmem:s31+$0x0] =	vst v2  }
0x42: {  	[tilespmem:s31+$0x30] =	vst v1  }
0x43: {  	v1 =	vld.idx.msk [tilespmem:v0+s18+$0xFFFFFFF0 ss:$0x1], $0xffff;
	_ =	sdelay $0x4  }
0x44: {  	v2 =	vshll.u32 v1, $0x10  }
0x45: {  	v1 =	vand.u32 $0xFFFF0000, v1;
	[tilespmem:s31+$0x10] =	vst v2  }
0x46: {  	[tilespmem:s31+$0x40] =	vst v1  }
0x47: {  	v1 =	vld.idx.msk [tilespmem:v0+s18+$0x0 ss:$0x1], $0xffff;
	_ =	sdelay $0x3  }
0x48: {  	s18 =	sand.u32 $0x1, s26  }
0x49: {  	s0 =	smul.u32 $0x12C00, s18;
	v2 =	vshll.u32 v1, $0x10  }
0x4a: {  	v1 =	vand.u32 $0xFFFF0000, v1;
	[tilespmem:s31+$0x20] =	vst v2  }
0x4b: {  	s28 =	sshrl.u32 s0, $0x2;
	s0 =	simm.s32 $0x100;
	[tilespmem:s31+$0x50] =	vst v1  }
0x4c: {  	v1 =	vld.idx.msk [tilespmem:v0+s0+$0xFFFFFF60 ss:$0x1], $0xffff;
	_ =	sdelay $0x1  }
0x4d: {  	s30 =	sand.u32 $0x3, s26;
	s1 =	simm.s32 $0x800;
	s29 =	sadd.s32 $0xC800, s28  }
.LBB2_3:
0x4e: {  	p1 =	sne.s32 s1, $0x18C00;
	_ =	sdelay $0x1  }
0x4f: {  	s31 =	sadd.s32 $0xC0, s31;
	v2 =	vshll.u32 v1, $0x10  }
0x50: {  	v1 =	vand.u32 $0xFFFF0000, v1;
	[tilespmem:s31+$0xFFFFFFA0] =	vst v2  }
0x51: {  	[tilespmem:s31+$0xFFFFFFD0] =	vst v1  }
0x52: {  	v1 =	vld.idx.msk [tilespmem:v0+s0+$0xFFFFFF70 ss:$0x1], $0xffff;
	_ =	sdelay $0x5  }
0x53: {  	v2 =	vshll.u32 v1, $0x10  }
0x54: {  	v1 =	vand.u32 $0xFFFF0000, v1;
	[tilespmem:s31+$0xFFFFFFB0] =	vst v2  }
0x55: {  	[tilespmem:s31+$0xFFFFFFE0] =	vst v1  }
0x56: {  	v1 =	vld.idx.msk [tilespmem:v0+s0+$0xFFFFFF80 ss:$0x1], $0xffff;
	_ =	sdelay $0x5  }
0x57: {  	v2 =	vshll.u32 v1, $0x10  }
0x58: {  	v1 =	vand.u32 $0xFFFF0000, v1;
	[tilespmem:s31+$0xFFFFFFC0] =	vst v2  }
0x59: {  	[tilespmem:s31+$0xFFFFFFF0] =	vst v1  }
0x5a: {  	v1 =	vld.idx.msk [tilespmem:v0+s0+$0xFFFFFFE0 ss:$0x1], $0xffff;
	_ =	sdelay $0x5  }
0x5b: {  	v2 =	vshll.u32 v1, $0x10  }
0x5c: {  	v1 =	vand.u32 $0xFFFF0000, v1;
	[tilespmem:s31+$0x0] =	vst v2  }
0x5d: {  	[tilespmem:s31+$0x30] =	vst v1  }
0x5e: {  	v1 =	vld.idx.msk [tilespmem:v0+s0+$0xFFFFFFF0 ss:$0x1], $0xffff;
	_ =	sdelay $0x5  }
0x5f: {  	v2 =	vshll.u32 v1, $0x10;
	v1 =	vand.u32 $0xFFFF0000, v1  }
0x60: {  	[tilespmem:s31+$0x10] =	vst v2  }
0x61: {  	[tilespmem:s31+$0x40] =	vst v1  }
0x62: {  	v1 =	vld.idx.msk [tilespmem:v0+s0+$0x0 ss:$0x1], $0xffff;
	_ =	sdelay $0x5  }
0x63: {  	v2 =	vshll.u32 v1, $0x10;
	v1 =	vand.u32 $0xFFFF0000, v1  }
0x64: {  	[tilespmem:s31+$0x20] =	vst v2  }
.Ltmp0:
0x65: {  	s0 =	sshra.s32 s1, $0x2;
	[tilespmem:s31+$0x50] =	vst v1;
	(pc) =	sbr.rel @p1 .LBB2_3-.Ltmp0, $2  }
0x66: {  	v1 =	vld.idx.msk [tilespmem:v0+s0+$0xFFFFFF60 ss:$0x1], $0xffff;
	_ =	sdelay $0x2  }
0x67: {  	s1 =	sadd.s32 $0x400, s1  }
0x68: {  	_ = 	snop  }
0x69: {  	s1 =	sadd.s32 $0xC0, s31;
	v2 =	vshll.u32 v1, $0x10  }
0x6a: {  	v57 =	vand.u32 $0xFFFF0000, v1;
	[tilespmem:s1+$0xFFFFFFA0] =	vst v2  }
0x6b: {  	[tilespmem:s1+$0xFFFFFFD0] =	vst v57  }
0x6c: {  	v1 =	vld.idx.msk [tilespmem:v0+s0+$0xFFFFFF70 ss:$0x1], $0xffff;
	_ =	sdelay $0x4  }
0x6d: {  	v58 =	vshll.u32 v1, $0x10  }
0x6e: {  	v1 =	vand.u32 $0xFFFF0000, v1;
	[tilespmem:s1+$0xFFFFFFB0] =	vst v58  }
0x6f: {  	[tilespmem:s1+$0xFFFFFFE0] =	vst v1  }
0x70: {  	v1 =	vld.idx.msk [tilespmem:v0+s0+$0xFFFFFF80 ss:$0x1], $0xffff;
	_ =	sdelay $0x4  }
0x71: {  	v59 =	vshll.u32 v1, $0x10  }
0x72: {  	v1 =	vand.u32 $0xFFFF0000, v1;
	[tilespmem:s1+$0xFFFFFFC0] =	vst v59  }
0x73: {  	[tilespmem:s1+$0xFFFFFFF0] =	vst v1  }
0x74: {  	v1 =	vld.idx.msk [tilespmem:v0+s0+$0xFFFFFFE0 ss:$0x1], $0xffff;
	_ =	sdelay $0x4  }
0x75: {  	v60 =	vshll.u32 v1, $0x10  }
0x76: {  	v1 =	vand.u32 $0xFFFF0000, v1;
	[tilespmem:s1+$0x0] =	vst v60  }
0x77: {  	[tilespmem:s1+$0x30] =	vst v1  }
0x78: {  	v1 =	vld.idx.msk [tilespmem:v0+s0+$0xFFFFFFF0 ss:$0x1], $0xffff;
	_ =	sdelay $0x4  }
0x79: {  	v61 =	vshll.u32 v1, $0x10  }
0x7a: {  	v1 =	vand.u32 $0xFFFF0000, v1;
	[tilespmem:s1+$0x10] =	vst v61  }
0x7b: {  	[tilespmem:s1+$0x40] =	vst v1  }
0x7c: {  	p1 =	sgt.u32 s26, $0x16;
	v62 =	vld.idx.msk [tilespmem:v0+s0+$0x0 ss:$0x1], $0xffff  }
0x7d: {  	s0 =	sadd.s32 @!p1 $0x2, s26  }
0x7e: {  	s31 =	smul.u32 @!p1 $0xC8, s0;
	_ =	sdelay $0x1  }
0x7f: {  	s18 =	sand.u32 @!p1 $0x1, s26;
	s31 =	sadd.s32 @!p1 s6, s31  }
0x80: {  	p2 =	seq.s32 @!p1 s18, $0x1;
	s18 =	sshll.u32 @!p1 s31, $0x4;
	v63 =	vshll.u32 v62, $0x10  }
0x81: {  	p2 =	por !p2, p1;
	s31 =	simm.s32 @!p1 $0x6400;
	v0 =	vand.u32 $0xFFFF0000, v62;
	s18 =	sand.u32 @!p1 $0x1FFFFF80, s18;
	[tilespmem:s1+$0x20] =	vst v63  }
0x82: {  	s31 =	simm.s32 @p2 $0x0;
	[tilespmem:s1+$0x50] =	vst v0;
	s1 =	sadd.s32 @!p1 s4, s18;
	s18 =	simm.s32 @!p1 $0x0  }
0x83: {  	[tilespmem:s31], [sflag:$0x1] =	stream.linear.gather @!p1 [hbm4b:s1+s18], $0x6400, $0x38;
	[tilespmem:$0x1DC80] =	vst v63  }
0x84: {  	s1 =	sand.u32 @!p1 $0x3, s0  }
0x85: {  	s0 =	sadd.s32 @!p1 s10, s0;
	s1 =	smul.u32 @!p1 $0x680, s1  }
0x86: {  	s0 =	smul.u32 @!p1 $0x34, s0  }
0x87: {  	s1 =	sshrl.u32 @!p1 s1, $0x2  }
0x88: {  	s30 =	smul.u32 $0x680, s30;
	s0 =	sadd.s32 @!p1 s5, s0;
	s1 =	sadd.s32 @!p1 $0x15E00, s1  }
0x89: {  	[tilespmem:s1], [sflag:$0x2] =	stream.linear.gather @!p1 [hbm4b:s0+s18], $0x1A0, $0x38;
	[tilespmem:$0x1DC80] =	vst v63  }
0x8a: {  	s0 =	sshrl.u32 s30, $0x2  }
0x8b: {  	s26 =	sadd.s32 $0x1, s26;
	s18 =	sadd.s32 $0x15E00, s0  }
0x8c: {  	[spmem:s2] =	stream.indirect.scatter.add.f32 [tilespmem:s29], [sflag:$0x3], $0x30, s18, s23, $0xb8;
	[tilespmem:$0x1DC80] =	vst v63  }
0x8d: {  	s30 =	sadd.s32 $0xDAC0, s28;
	p1 =	sne.s32 s26, $0x19;
	s31 =	sadd.s32 $0x15E68, s0  }
0x8e: {  	[spmem:s2] =	stream.indirect.scatter.add.f32 [tilespmem:s30], [sflag:$0x3], $0x30, s31, s23, $0xb8;
	[tilespmem:$0x1DC80] =	vst v63  }
.Ltmp1:
0x8f: {  	_ = 	snop;
	(pc) =	sbr.rel @p1 .LBB2_2-.Ltmp1, $4  }
0x90: {  	s29 =	sadd.s32 $0xED80, s28;
	s30 =	sadd.s32 $0x15ED0, s0  }
0x91: {  	[spmem:s2] =	stream.indirect.scatter.add.f32 [tilespmem:s29], [sflag:$0x3], $0x30, s30, s23, $0xb8;
	[tilespmem:$0x1DC80] =	vst v63  }
0x92: {  	p0 =	por !p0, !p0;
	s31 =	sadd.s32 $0x10040, s28;
	s0 =	sadd.s32 $0x15F38, s0  }
0x93: {  	[spmem:s2] =	stream.indirect.scatter.add.f32 [tilespmem:s31], [sflag:$0x3], $0x30, s0, s23, $0xb8;
	[tilespmem:$0x1DC80] =	vst v63  }
0x94: {  	_ =	swait.ge [sflag:s24], $0x12C0  }
0x95: {  	[sflag:s24] =	ssyncset.done $0x0  }
0x96: {  	[sflag:s24] =	ssyncadd.s32 $0xFFFFED40  }
0x97: {  	_ =	swait.ge [sflag:s24], $0x12C0  }
0x98: {  	[sflag:s24] =	ssyncset.done $0x0  }
0x99: {  	[sflag:s24] =	ssyncadd.s32 $0xFFFFED40  }
0x9a: {  	_ =	swait.ge [sflag:s24], $0x12C0  }
0x9b: {  	[sflag:s24] =	ssyncset.done $0x0  }
0x9c: {  	[sflag:s24] =	ssyncadd.s32 $0xFFFFED40  }
0x9d: {  	_ =	swait.ge [sflag:s24], $0x12C0  }
0x9e: {  	[sflag:s24] =	ssyncset.done $0x0  }
0x9f: {  	[sflag:s24] =	ssyncadd.s32 $0xFFFFED40  }
0xa0: {  	_ =	swait.ge [sflag:s24], $0x12C0  }
0xa1: {  	[sflag:s24] =	ssyncset.done $0x0  }
0xa2: {  	[sflag:s24] =	ssyncadd.s32 $0xFFFFED40  }
0xa3: {  	_ =	swait.ge [sflag:s24], $0x12C0  }
0xa4: {  	[sflag:s24] =	ssyncset.done $0x0  }
0xa5: {  	[sflag:s24] =	ssyncadd.s32 $0xFFFFED40  }
0xa6: {  	_ =	swait.ge [sflag:s24], $0x12C0  }
0xa7: {  	[sflag:s24] =	ssyncset.done $0x0  }
0xa8: {  	[sflag:s24] =	ssyncadd.s32 $0xFFFFED40  }
0xa9: {  	_ =	swait.ge [sflag:s24], $0x12C0  }
0xaa: {  	s25 =	sadd.s32 $0x1, s25;
	[sflag:s24] =	ssyncset.done $0x0  }
0xab: {  	p0 =	sne.s32 s25, s15;
	[sflag:s24] =	ssyncadd.s32 $0xFFFFED40  }
.Ltmp2:
0xac: {  	[bflag:$0x0] =	sbarrier.arrive $0xFFFF;
	(pc) =	sbr.rel @p0 .LBB2_1-.Ltmp2, $4  }
0xad: {  	[hbm:s14], [sflag:s8] =	dma.local [spmem:s16], $0xF00  }
0xae: {  	_ =	swait.ge [sflag:s17], $0xF00  }
0xaf: {  	[sflag:s17] =	ssyncset.done $0x0  }
0xb0: {  	[sflag:s17] =	ssyncadd.s32 $0xFFFFF100  }
0xb1: {  	_ =	sfence.sel $0x180000  }
0xb2: {  	[bflag:$0x0] =	sbarrier.arrive $0xFFFF  }
0xb3: {  	_ =	strace $0x90000047  }
0xb4: {  	s0 =	stileid.u32;
	[bflag:$0x2] =	sbarrier.arrive $0xFFFF  }
0xb5: {  	p0 =	sne.s32 s0, $0x0;
	s0 =	rddreg [dreg:$0x2]  }
0xb6: {  	s0 =	sadd.s32 @!p0 $0x100000, s0  }
0xb7: {  	[sflag:s0] =	ssyncadd.tile.s32 @!p0 $0x1;
	_ =	shalt  }
.Lfunc_end2:
_tile_overlayer_lowered:
.L_overlay_start_2:
0xb8: {  	(tag) =	ssettag $0x2  }
0xb9: {  	s0 =	rddreg [dreg:$0x0];
	s2 =	stileid.u32  }
0xba: {  	s1 =	rddreg [dreg:$0x1];
	p0 =	sne.s32 s2, $0x0  }
0xbb: {  	s3 =	rddreg [dreg:$0x2];
	[bflag:$0x3] =	sbarrier.arrive $0xFFFF;
	s2 =	simm.s32 @!p0 $0x1C04  }
0xbc: {  	[timem:s3], [sflag:s2] =	dma.local @!p0 [hbm:s0], s1  }
0xbd: {  	s0 =	simm.s32 @!p0 $0x4  }
0xbe: {  	_ =	swait.ge @!p0 [sflag:s0], s1  }
0xbf: {  	s1 =	ssub.s32 @!p0 $0x0, s1;
	[sflag:s0] =	ssyncset.done @!p0 $0x0  }
0xc0: {  	[sflag:s0] =	ssyncadd.s32 @!p0 s1  }
0xc1: {  	[bflag:$0x3] =	sbarrier.arrive $0xFFFF  }
0xc2: {  	_ =	shalt  }

</sc_bundles>
